<compile_context>
chip_gen: v7x
topology: tpu7x:2x2x1
jax: 0.10.2.dev20260603
libtpu: 0.0.44.dev20260713+nightly
codegen_flags: <defaults>
</compile_context>

<pallas_src>
import functools

import jax
import jax.numpy as jnp
from jax import lax
from jax.experimental import pallas as pl
from jax.experimental.pallas import tpu as pltpu
from jax.experimental.pallas import tpu_sc as plsc

E = 320000
NIN = 128
NSEG = 10000
SEGP = 10240
NW = 32

S0 = 166400
S1 = E - S0
BE = 12800


def _embed_body(f_ref, w_ref, b_ref, h0_ref, h1_ref):
    f = f_ref[...]
    w = w_ref[...]
    acc = lax.dot_general(w, f, (((1,), (1,)), ((), ())),
                          preferred_element_type=jnp.float32)
    s = acc + b_ref[...][:, 0:1]
    h0_ref[...] = jnp.maximum(s[0:1, :] + s[1:2, :], 0.0)
    h1_ref[...] = jnp.maximum(s[2:3, :] + s[3:4, :], 0.0)


def _embed(features, w8, b8, n, off_blocks):
    grid = n // BE
    return pl.pallas_call(
        _embed_body,
        grid=(grid,),
        in_specs=[
            pl.BlockSpec((BE, NIN), lambda i: (off_blocks + i, 0)),
            pl.BlockSpec((8, NIN), lambda i: (0, 0)),
            pl.BlockSpec((8, NIN), lambda i: (0, 0)),
        ],
        out_specs=[
            pl.BlockSpec((1, BE), lambda i: (0, i)),
            pl.BlockSpec((1, BE), lambda i: (0, i)),
        ],
        out_shape=[
            jax.ShapeDtypeStruct((1, n), jnp.float32),
            jax.ShapeDtypeStruct((1, n), jnp.float32),
        ],
    )(features, w8, b8)


def _make_seg_body(epw, idx_off):
    chunks = epw // 16

    def _seg_body(h0_hbm, h1_hbm, idx_hbm, out_hbm, idx_v, h0_v, h1_v, acc_v):
        wid = lax.axis_index("s") * 2 + lax.axis_index("c")
        base = wid * epw
        pltpu.sync_copy(idx_hbm.at[pl.ds(idx_off + base, epw)],
                        idx_v.at[pl.ds(16, epw)])
        pltpu.sync_copy(h0_hbm.at[pl.ds(base, epw)], h0_v)
        pltpu.sync_copy(h1_hbm.at[pl.ds(base, epw)], h1_v)
        idx_v[pl.ds(16 + epw, 16)] = jnp.full((16,), -1, jnp.int32)

        zero16 = jnp.zeros((16,), jnp.float32)

        @plsc.parallel_loop(0, SEGP // 16)
        def _zero(i):
            o = i * 16
            acc_v[0, pl.ds(o, 16)] = zero16
            acc_v[1, pl.ds(o, 16)] = zero16
            acc_v[2, pl.ds(o, 16)] = zero16

        lane = lax.iota(jnp.int32, 16)
        lanef = lane.astype(jnp.float32)
        onesc = lanef + 1.0
        lane15 = lane == 15
        row0 = jnp.zeros((16,), jnp.int32)
        row1 = row0 + 1
        row2 = row0 + 2

        @plsc.parallel_loop(0, chunks, unroll=2)
        def _accum(j):
            o = j * 16
            idx16 = idx_v[pl.ds(16 + o, 16)]
            idxp = idx_v[pl.ds(15 + o, 16)]
            idxn = idx_v[pl.ds(17 + o, 16)]
            first = idx16 != idxp
            last = (idx16 != idxn) | lane15
            v0 = h0_v[pl.ds(o, 16)]
            v1 = h1_v[pl.ds(o, 16)]
            cs0 = plsc.cumsum(v0)
            cs1 = plsc.cumsum(v1)
            plsc.addupdate_scatter(acc_v, [row0, idx16], cs0, mask=last)
            plsc.addupdate_scatter(acc_v, [row1, idx16], cs1, mask=last)
            plsc.addupdate_scatter(acc_v, [row2, idx16], onesc, mask=last)
            plsc.addupdate_scatter(acc_v, [row0, idx16], v0 - cs0, mask=first)
            plsc.addupdate_scatter(acc_v, [row1, idx16], v1 - cs1, mask=first)
            plsc.addupdate_scatter(acc_v, [row2, idx16], -lanef, mask=first)

        pltpu.sync_copy(acc_v, out_hbm.at[wid])

    return _seg_body


@functools.cache
def _seg_kernel_fn(n_edges, idx_off):
    epw = n_edges // NW
    mesh = plsc.VectorSubcoreMesh(
        core_axis_name="c", subcore_axis_name="s",
        num_cores=2, num_subcores=16)
    return pl.kernel(
        _make_seg_body(epw, idx_off),
        out_type=jax.ShapeDtypeStruct((NW, 3, SEGP), jnp.float32),
        mesh=mesh,
        compiler_params=pltpu.CompilerParams(needs_layout_passes=False),
        scratch_types=[
            pltpu.VMEM((epw + 32,), jnp.int32),
            pltpu.VMEM((epw,), jnp.float32),
            pltpu.VMEM((epw,), jnp.float32),
            pltpu.VMEM((3, SEGP), jnp.float32),
        ],
    )


def _mix_body(pa_ref, pb_ref, w3_ref, w23_ref, s_ref, w4_ref, out_ref, red_ref):
    i = pl.program_id(0)
    part = pa_ref[...][0] + pb_ref[...][0]

    @pl.when(i == 0)
    def _init():
        red_ref[...] = part

    @pl.when(i > 0)
    def _acc():
        red_ref[...] = red_ref[...] + part

    @pl.when(i == NW - 1)
    def _final():
        red = red_ref[...]
        h8 = jnp.concatenate(
            [red, jnp.ones((1, SEGP), jnp.float32),
             jnp.zeros((4, SEGP), jnp.float32)], axis=0)
        mc = lax.dot_general(w3_ref[...], w23_ref[...], (((1,), (1,)), ((), ())),
                             preferred_element_type=jnp.float32,
                             precision=lax.Precision.HIGHEST)
        a8 = mc + s_ref[...]
        g = jnp.maximum(
            lax.dot_general(a8, h8, (((1,), (0,)), ((), ())),
                            preferred_element_type=jnp.float32,
                            precision=lax.Precision.HIGHEST), 0.0)
        out_ref[...] = lax.dot_general(w4_ref[...], g, (((1,), (0,)), ((), ())),
                                       preferred_element_type=jnp.float32,
                                       precision=lax.Precision.HIGHEST)


def _mix(pa, pb, w3p, p23, s8, w4m):
    return pl.pallas_call(
        _mix_body,
        grid=(NW,),
        in_specs=[
            pl.BlockSpec((1, 3, SEGP), lambda i: (i, 0, 0)),
            pl.BlockSpec((1, 3, SEGP), lambda i: (i, 0, 0)),
            pl.BlockSpec((8, NIN), lambda i: (0, 0)),
            pl.BlockSpec((8, NIN), lambda i: (0, 0)),
            pl.BlockSpec((8, 8), lambda i: (0, 0)),
            pl.BlockSpec((8, 8), lambda i: (0, 0)),
        ],
        out_specs=pl.BlockSpec((8, SEGP), lambda i: (0, 0)),
        out_shape=jax.ShapeDtypeStruct((8, SEGP), jnp.float32),
        scratch_shapes=[pltpu.VMEM((3, SEGP), jnp.float32)],
    )(pa, pb, w3p, p23, s8, w4m)


def kernel(features, indices, W1, b1, W2, b2, W3, b3, W4, b4):
    f32 = jnp.float32
    w1hi = W1.astype(jnp.bfloat16).astype(f32)
    w1lo = W1 - w1hi
    w8 = jnp.zeros((8, NIN), f32)
    w8 = w8.at[0, :].set(w1hi[0]).at[1, :].set(w1lo[0])
    w8 = w8.at[2, :].set(w1hi[1]).at[3, :].set(w1lo[1])
    b8 = jnp.zeros((8, NIN), f32).at[0, 0].set(b1[0]).at[2, 0].set(b1[1])

    h0a, h1a = _embed(features, w8, b8, S0, 0)
    pa = _seg_kernel_fn(S0, 0)(h0a.reshape(S0), h1a.reshape(S0), indices)
    h0b, h1b = _embed(features, w8, b8, S1, S0 // BE)
    pb = _seg_kernel_fn(S1, S0)(h0b.reshape(S1), h1b.reshape(S1), indices)

    w3p = jnp.zeros((8, NIN), f32).at[0:2, :].set(W3)
    p23 = jnp.zeros((8, NIN), f32)
    p23 = p23.at[0, :].set(W2[:, 0]).at[1, :].set(W2[:, 1]).at[2, :].set(b2)
    s8 = jnp.zeros((8, 8), f32).at[0, 3].set(b3[0]).at[1, 3].set(b3[1])
    s8 = s8.at[2, 3].set(1.0)
    w4m = jnp.zeros((8, 8), f32)
    w4m = w4m.at[0, 0].set(W4[0, 0]).at[0, 1].set(W4[0, 1]).at[0, 2].set(b4[0])

    out = _mix(pa, pb, w3p, p23, s8, w4m)
    return out[0, :NSEG].reshape(NSEG, 1)

# --- scband reference (transcript-rebuilt; emitter-appended) ---
"""Pipeline reference for scband-graph-permutation-38732015075488 (READ-ONLY COPY).

The authoritative reference and input builder live on the scoring server;
editing this copy changes nothing except your own understanding.
"""

import jax, jax.numpy as jnp
import numpy as np

N_EDGES = 320000
N_IN = 128
N_EMBED = 128
N_NEURONS = 10000


def setup_inputs(seed: int = 0) -> dict:
    key = jax.random.key(seed)
    ks = jax.random.split(key, 12)
    features = jax.random.normal(ks[0], (N_EDGES, N_IN), dtype=jnp.float32)
    indices = jnp.sort(jax.random.randint(ks[1], (N_EDGES,), 0, N_NEURONS)).astype(jnp.int32)
    # embed_MLP params: Linear(n_in -> 2), relu, Linear(2 -> n_embed)
    # eqx.nn.Linear stores weight as [out, in], y = W @ x + b
    W1 = jax.random.normal(ks[2], (2, N_IN), dtype=jnp.float32) / np.sqrt(N_IN)
    b1 = jax.random.normal(ks[3], (2,), dtype=jnp.float32) * 0.01
    W2 = jax.random.normal(ks[4], (N_EMBED, 2), dtype=jnp.float32) / np.sqrt(2.0)
    b2 = jax.random.normal(ks[5], (N_EMBED,), dtype=jnp.float32) * 0.01
    # mix_MLP params: Linear(n_embed -> 2), relu, Linear(2 -> 1)
    W3 = jax.random.normal(ks[6], (2, N_EMBED), dtype=jnp.float32) / np.sqrt(N_EMBED)
    b3 = jax.random.normal(ks[7], (2,), dtype=jnp.float32) * 0.01
    W4 = jax.random.normal(ks[8], (1, 2), dtype=jnp.float32) / np.sqrt(2.0)
    b4 = jax.random.normal(ks[9], (1,), dtype=jnp.float32) * 0.01
    return {
        'features': features,
        'indices': indices,
        'W1': W1, 'b1': b1, 'W2': W2, 'b2': b2,
        'W3': W3, 'b3': b3, 'W4': W4, 'b4': b4,
    }


def reference(features, indices, W1, b1, W2, b2, W3, b3, W4, b4):
    # embed_MLP applied per-row (vmap over rows == batched matmul)
    h = jax.nn.relu(features @ W1.T + b1)          # [E, 2]
    embedding = h @ W2.T + b2                        # [E, n_embed]
    # scatter-add aggregation by destination neuron
    agg = jax.ops.segment_sum(embedding, segment_ids=indices,
                              num_segments=N_NEURONS, bucket_size=2048)  # [n_neurons, n_embed]
    # mix_MLP per neuron
    g = jax.nn.relu(agg @ W3.T + b3)                 # [n_neurons, 2]
    logits = g @ W4.T + b4                           # [n_neurons, 1]
    return logits

if __name__ == "__main__":
    import jax
    _d = setup_inputs()
    print(jax.jit(kernel)(*tuple(_d.values())))

</pallas_src>

<mosaic_0001>
#map = affine_map<(d0, d1) -> (0)>
#map1 = affine_map<(d0, d1) -> (0, 0, 0)>
module attributes {stable_mosaic.version = 14 : i64} {
  func.func @_seg_body(%arg0: i32, %arg1: i32, %arg2: memref<153600xf32, #tpu.memory_space<hbm>>, %arg3: memref<153600xf32, #tpu.memory_space<hbm>>, %arg4: memref<320000xi32, #tpu.memory_space<hbm>>, %arg5: memref<32x3x10240xf32, #tpu.memory_space<hbm>>, %arg6: memref<4832xi32, #tpu.memory_space<vmem>>, %arg7: memref<4800xf32, #tpu.memory_space<vmem>>, %arg8: memref<4800xf32, #tpu.memory_space<vmem>>, %arg9: memref<3x10240xf32, #tpu.memory_space<vmem>>) attributes {dimension_semantics = [#tpu.dimension_semantics<core_parallel>, #tpu.dimension_semantics<subcore_parallel>], iteration_bounds = array<i64: 2, 16>, scalar_prefetch = 0 : i64, scratch_operands = 4 : i64, tpu.core_type = #tpu.core_type<sc_vector_subcore>, window_params = [{transform_indices = #map}, {transform_indices = #map}, {transform_indices = #map}, {transform_indices = #map1}]} {
    %mul3A = arith.constant 2 : i32
    %mul3A_0 = arith.muli %arg1, %mul3A : i32
    %add3A = arith.addi %mul3A_0, %arg0 : i32
    %mul3A_1 = arith.constant 4800 : i32
    %mul3A_2 = arith.muli %add3A, %mul3A_1 : i32
    %add3A_3 = arith.constant 166400 : i32
    %add3A_4 = arith.addi %add3A_3, %mul3A_2 : i32
    "tpu.region"() ({
      %run_scoped3A = tpu.sem_alloc : memref<!tpu.dma_semaphore, #tpu.memory_space<semaphore_mem>>
      %dma_start3A = arith.constant 16 : i32
      %dma_start3A_27 = tpu.memref_slice %arg6[%dma_start3A] : memref<4832xi32, #tpu.memory_space<vmem>> -> memref<4800xi32, #tpu.memory_space<vmem>>
      %dma_start3A_28 = tpu.memref_slice %arg4[%add3A_4] : memref<320000xi32, #tpu.memory_space<hbm>> -> memref<4800xi32, #tpu.memory_space<hbm>>
      %dma_start3A_29 = arith.constant 16 : i32
      %dma_start3A_30 = tpu.memref_slice %arg6[%dma_start3A_29] : memref<4832xi32, #tpu.memory_space<vmem>> -> memref<4800xi32, #tpu.memory_space<vmem>>
      %dma_start3A_31 = tpu.memref_slice %arg4[%add3A_4] : memref<320000xi32, #tpu.memory_space<hbm>> -> memref<4800xi32, #tpu.memory_space<hbm>>
      tpu.enqueue_dma source(%dma_start3A_31 : memref<4800xi32, #tpu.memory_space<hbm>>) target(%dma_start3A_30 : memref<4800xi32, #tpu.memory_space<vmem>>) target_semaphore(%run_scoped3A : memref<!tpu.dma_semaphore, #tpu.memory_space<semaphore_mem>>)
      %dma_wait3A = arith.constant 16 : i32
      %dma_wait3A_32 = tpu.memref_slice %arg6[%dma_wait3A] : memref<4832xi32, #tpu.memory_space<vmem>> -> memref<4800xi32, #tpu.memory_space<vmem>>
      %dma_wait3A_33 = tpu.memref_slice %arg4[%add3A_4] : memref<320000xi32, #tpu.memory_space<hbm>> -> memref<4800xi32, #tpu.memory_space<hbm>>
      %dma_wait3A_34 = arith.constant 16 : i32
      %dma_wait3A_35 = tpu.memref_slice %arg6[%dma_wait3A_34] : memref<4832xi32, #tpu.memory_space<vmem>> -> memref<4800xi32, #tpu.memory_space<vmem>>
      %dma_wait3A_36 = tpu.memref_slice %arg4[%add3A_4] : memref<320000xi32, #tpu.memory_space<hbm>> -> memref<4800xi32, #tpu.memory_space<hbm>>
      tpu.wait_dma2 semaphore(%run_scoped3A : memref<!tpu.dma_semaphore, #tpu.memory_space<semaphore_mem>>) src(%dma_wait3A_36 : memref<4800xi32, #tpu.memory_space<hbm>>) dst(%dma_wait3A_35 : memref<4800xi32, #tpu.memory_space<vmem>>)
      tpu.yield
    }) : () -> ()
    "tpu.region"() ({
      %run_scoped3A = tpu.sem_alloc : memref<!tpu.dma_semaphore, #tpu.memory_space<semaphore_mem>>
      %dma_start3A = tpu.memref_slice %arg2[%mul3A_2] : memref<153600xf32, #tpu.memory_space<hbm>> -> memref<4800xf32, #tpu.memory_space<hbm>>
      %dma_start3A_27 = tpu.memref_slice %arg2[%mul3A_2] : memref<153600xf32, #tpu.memory_space<hbm>> -> memref<4800xf32, #tpu.memory_space<hbm>>
      tpu.enqueue_dma source(%dma_start3A_27 : memref<4800xf32, #tpu.memory_space<hbm>>) target(%arg7 : memref<4800xf32, #tpu.memory_space<vmem>>) target_semaphore(%run_scoped3A : memref<!tpu.dma_semaphore, #tpu.memory_space<semaphore_mem>>)
      %dma_wait3A = tpu.memref_slice %arg2[%mul3A_2] : memref<153600xf32, #tpu.memory_space<hbm>> -> memref<4800xf32, #tpu.memory_space<hbm>>
      %dma_wait3A_28 = tpu.memref_slice %arg2[%mul3A_2] : memref<153600xf32, #tpu.memory_space<hbm>> -> memref<4800xf32, #tpu.memory_space<hbm>>
      tpu.wait_dma2 semaphore(%run_scoped3A : memref<!tpu.dma_semaphore, #tpu.memory_space<semaphore_mem>>) src(%dma_wait3A_28 : memref<4800xf32, #tpu.memory_space<hbm>>) dst(%arg7 : memref<4800xf32, #tpu.memory_space<vmem>>)
      tpu.yield
    }) : () -> ()
    "tpu.region"() ({
      %run_scoped3A = tpu.sem_alloc : memref<!tpu.dma_semaphore, #tpu.memory_space<semaphore_mem>>
      %dma_start3A = tpu.memref_slice %arg3[%mul3A_2] : memref<153600xf32, #tpu.memory_space<hbm>> -> memref<4800xf32, #tpu.memory_space<hbm>>
      %dma_start3A_27 = tpu.memref_slice %arg3[%mul3A_2] : memref<153600xf32, #tpu.memory_space<hbm>> -> memref<4800xf32, #tpu.memory_space<hbm>>
      tpu.enqueue_dma source(%dma_start3A_27 : memref<4800xf32, #tpu.memory_space<hbm>>) target(%arg8 : memref<4800xf32, #tpu.memory_space<vmem>>) target_semaphore(%run_scoped3A : memref<!tpu.dma_semaphore, #tpu.memory_space<semaphore_mem>>)
      %dma_wait3A = tpu.memref_slice %arg3[%mul3A_2] : memref<153600xf32, #tpu.memory_space<hbm>> -> memref<4800xf32, #tpu.memory_space<hbm>>
      %dma_wait3A_28 = tpu.memref_slice %arg3[%mul3A_2] : memref<153600xf32, #tpu.memory_space<hbm>> -> memref<4800xf32, #tpu.memory_space<hbm>>
      tpu.wait_dma2 semaphore(%run_scoped3A : memref<!tpu.dma_semaphore, #tpu.memory_space<semaphore_mem>>) src(%dma_wait3A_28 : memref<4800xf32, #tpu.memory_space<hbm>>) dst(%arg8 : memref<4800xf32, #tpu.memory_space<vmem>>)
      tpu.yield
    }) : () -> ()
    %broadcast_in_dim3A = arith.constant -1 : i32
    %broadcast_in_dim3A_5 = vector.broadcast %broadcast_in_dim3A : i32 to vector<16xi32>
    %swap3A = arith.constant 4816 : index
    %swap3A_6 = tpu.vector_load %arg6[%swap3A] {strides = array<i32>} : memref<4832xi32, #tpu.memory_space<vmem>>, vector<16xi32>,
    tpu.vector_store %arg6[%swap3A], %broadcast_in_dim3A_5 {strides = array<i32>} : memref<4832xi32, #tpu.memory_space<vmem>>, vector<16xi32>,
    %broadcast_in_dim3A_7 = arith.constant 0.000000e+00 : f32
    %broadcast_in_dim3A_8 = vector.broadcast %broadcast_in_dim3A_7 : f32 to vector<16xf32>
    %parallel_loop3A = arith.constant 0 : i32
    %parallel_loop3A_9 = arith.constant 640 : i32
    %parallel_loop3A_10 = arith.constant 1 : i32
    scf.for %parallel_loop3A_27 = %parallel_loop3A to %parallel_loop3A_9 step %parallel_loop3A_10  : i32 {
      %parallel_loop3A_28 = arith.constant 16 : i32
      %parallel_loop3A_29 = arith.muli %parallel_loop3A_27, %parallel_loop3A_28 : i32
      %parallel_loop3A_30 = arith.constant 0 : i32
      %parallel_loop3A_31 = arith.index_cast %parallel_loop3A_30 : i32 to index
      %parallel_loop3A_32 = arith.index_cast %parallel_loop3A_29 : i32 to index
      %parallel_loop3A_33 = tpu.vector_load %arg9[%parallel_loop3A_31, %parallel_loop3A_32] {strides = array<i32>} : memref<3x10240xf32, #tpu.memory_space<vmem>>, vector<16xf32>,
      tpu.vector_store %arg9[%parallel_loop3A_31, %parallel_loop3A_32], %broadcast_in_dim3A_8 {strides = array<i32>} : memref<3x10240xf32, #tpu.memory_space<vmem>>, vector<16xf32>,
      %parallel_loop3A_34 = arith.constant 1 : i32
      %parallel_loop3A_35 = arith.index_cast %parallel_loop3A_34 : i32 to index
      %parallel_loop3A_36 = arith.index_cast %parallel_loop3A_29 : i32 to index
      %parallel_loop3A_37 = tpu.vector_load %arg9[%parallel_loop3A_35, %parallel_loop3A_36] {strides = array<i32>} : memref<3x10240xf32, #tpu.memory_space<vmem>>, vector<16xf32>,
      tpu.vector_store %arg9[%parallel_loop3A_35, %parallel_loop3A_36], %broadcast_in_dim3A_8 {strides = array<i32>} : memref<3x10240xf32, #tpu.memory_space<vmem>>, vector<16xf32>,
      %parallel_loop3A_38 = arith.constant 2 : i32
      %parallel_loop3A_39 = arith.index_cast %parallel_loop3A_38 : i32 to index
      %parallel_loop3A_40 = arith.index_cast %parallel_loop3A_29 : i32 to index
      %parallel_loop3A_41 = tpu.vector_load %arg9[%parallel_loop3A_39, %parallel_loop3A_40] {strides = array<i32>} : memref<3x10240xf32, #tpu.memory_space<vmem>>, vector<16xf32>,
      tpu.vector_store %arg9[%parallel_loop3A_39, %parallel_loop3A_40], %broadcast_in_dim3A_8 {strides = array<i32>} : memref<3x10240xf32, #tpu.memory_space<vmem>>, vector<16xf32>,
    } {sc.loop_unroll_factor = 1 : i64, sc.parallel_access}
    %iota3A = tpu.iota {dimensions = array<i32: 0>} : vector<16xi32>
    %convert_element_type3A = arith.sitofp %iota3A : vector<16xi32> to vector<16xf32>
    %add3A_11 = arith.constant 1.000000e+00 : f32
    %add3A_12 = vector.broadcast %add3A_11 : f32 to vector<16xf32>
    %add3A_13 = arith.addf %convert_element_type3A, %add3A_12 : vector<16xf32>
    %eq3A = arith.constant 15 : i32
    %eq3A_14 = vector.broadcast %eq3A : i32 to vector<16xi32>
    %eq3A_15 = arith.cmpi eq, %iota3A, %eq3A_14 : vector<16xi32>
    %broadcast_in_dim3A_16 = arith.constant 0 : i32
    %broadcast_in_dim3A_17 = vector.broadcast %broadcast_in_dim3A_16 : i32 to vector<16xi32>
    %add3A_18 = arith.constant 1 : i32
    %add3A_19 = vector.broadcast %add3A_18 : i32 to vector<16xi32>
    %add3A_20 = arith.addi %broadcast_in_dim3A_17, %add3A_19 : vector<16xi32>
    %add3A_21 = arith.constant 2 : i32
    %add3A_22 = vector.broadcast %add3A_21 : i32 to vector<16xi32>
    %add3A_23 = arith.addi %broadcast_in_dim3A_17, %add3A_22 : vector<16xi32>
    %parallel_loop3A_24 = arith.constant 0 : i32
    %parallel_loop3A_25 = arith.constant 300 : i32
    %parallel_loop3A_26 = arith.constant 1 : i32
    scf.for %parallel_loop3A_27 = %parallel_loop3A_24 to %parallel_loop3A_25 step %parallel_loop3A_26  : i32 {
      %parallel_loop3A_28 = arith.constant 16 : i32
      %parallel_loop3A_29 = arith.muli %parallel_loop3A_27, %parallel_loop3A_28 : i32
      %parallel_loop3A_30 = arith.constant 16 : i32
      %parallel_loop3A_31 = arith.addi %parallel_loop3A_30, %parallel_loop3A_29 : i32
      %parallel_loop3A_32 = arith.index_cast %parallel_loop3A_31 : i32 to index
      %parallel_loop3A_33 = tpu.vector_load %arg6[%parallel_loop3A_32] {strides = array<i32>} : memref<4832xi32, #tpu.memory_space<vmem>>, vector<16xi32>,
      %parallel_loop3A_34 = arith.constant 15 : i32
      %parallel_loop3A_35 = arith.addi %parallel_loop3A_34, %parallel_loop3A_29 : i32
      %parallel_loop3A_36 = arith.index_cast %parallel_loop3A_35 : i32 to index
      %parallel_loop3A_37 = tpu.vector_load %arg6[%parallel_loop3A_36] {strides = array<i32>} : memref<4832xi32, #tpu.memory_space<vmem>>, vector<16xi32>,
      %parallel_loop3A_38 = arith.constant 17 : i32
      %parallel_loop3A_39 = arith.addi %parallel_loop3A_38, %parallel_loop3A_29 : i32
      %parallel_loop3A_40 = arith.index_cast %parallel_loop3A_39 : i32 to index
      %parallel_loop3A_41 = tpu.vector_load %arg6[%parallel_loop3A_40] {strides = array<i32>} : memref<4832xi32, #tpu.memory_space<vmem>>, vector<16xi32>,
      %parallel_loop3A_42 = arith.cmpi ne, %parallel_loop3A_33, %parallel_loop3A_37 : vector<16xi32>
      %parallel_loop3A_43 = arith.cmpi ne, %parallel_loop3A_33, %parallel_loop3A_41 : vector<16xi32>
      %parallel_loop3A_44 = arith.ori %parallel_loop3A_43, %eq3A_15 : vector<16xi1>
      %parallel_loop3A_45 = arith.index_cast %parallel_loop3A_29 : i32 to index
      %parallel_loop3A_46 = tpu.vector_load %arg7[%parallel_loop3A_45] {strides = array<i32>} : memref<4800xf32, #tpu.memory_space<vmem>>, vector<16xf32>,
      %parallel_loop3A_47 = arith.index_cast %parallel_loop3A_29 : i32 to index
      %parallel_loop3A_48 = tpu.vector_load %arg8[%parallel_loop3A_47] {strides = array<i32>} : memref<4800xf32, #tpu.memory_space<vmem>>, vector<16xf32>,
      %parallel_loop3A_49 = arith.constant true
      %parallel_loop3A_50 = vector.broadcast %parallel_loop3A_49 : i1 to vector<16xi1>
      %parallel_loop3A_51 = tpu.scan <sum>, %parallel_loop3A_46 masked %parallel_loop3A_50 : vector<16xf32>, vector<16xi1> -> vector<16xf32>
      %parallel_loop3A_52 = arith.constant true
      %parallel_loop3A_53 = vector.broadcast %parallel_loop3A_52 : i1 to vector<16xi1>
      %parallel_loop3A_54 = tpu.scan <sum>, %parallel_loop3A_48 masked %parallel_loop3A_53 : vector<16xf32>, vector<16xi1> -> vector<16xf32>
      tpu.vector_store_idx %arg9[%broadcast_in_dim3A_17, %parallel_loop3A_33], %parallel_loop3A_51 masked %parallel_loop3A_44 {add = true} : memref<3x10240xf32, #tpu.memory_space<vmem>>[vector<16xi32>, vector<16xi32>], vector<16xf32>, vector<16xi1>
      tpu.vector_store_idx %arg9[%add3A_20, %parallel_loop3A_33], %parallel_loop3A_54 masked %parallel_loop3A_44 {add = true} : memref<3x10240xf32, #tpu.memory_space<vmem>>[vector<16xi32>, vector<16xi32>], vector<16xf32>, vector<16xi1>
      tpu.vector_store_idx %arg9[%add3A_23, %parallel_loop3A_33], %add3A_13 masked %parallel_loop3A_44 {add = true} : memref<3x10240xf32, #tpu.memory_space<vmem>>[vector<16xi32>, vector<16xi32>], vector<16xf32>, vector<16xi1>
      %parallel_loop3A_55 = arith.subf %parallel_loop3A_46, %parallel_loop3A_51 : vector<16xf32>
      tpu.vector_store_idx %arg9[%broadcast_in_dim3A_17, %parallel_loop3A_33], %parallel_loop3A_55 masked %parallel_loop3A_42 {add = true} : memref<3x10240xf32, #tpu.memory_space<vmem>>[vector<16xi32>, vector<16xi32>], vector<16xf32>, vector<16xi1>
      %parallel_loop3A_56 = arith.subf %parallel_loop3A_48, %parallel_loop3A_54 : vector<16xf32>
      tpu.vector_store_idx %arg9[%add3A_20, %parallel_loop3A_33], %parallel_loop3A_56 masked %parallel_loop3A_42 {add = true} : memref<3x10240xf32, #tpu.memory_space<vmem>>[vector<16xi32>, vector<16xi32>], vector<16xf32>, vector<16xi1>
      %parallel_loop3A_57 = arith.constant 0.000000e+00 : f32
      %parallel_loop3A_58 = vector.broadcast %parallel_loop3A_57 : f32 to vector<16xf32>
      %parallel_loop3A_59 = arith.subf %parallel_loop3A_58, %convert_element_type3A : vector<16xf32>
      tpu.vector_store_idx %arg9[%add3A_23, %parallel_loop3A_33], %parallel_loop3A_59 masked %parallel_loop3A_42 {add = true} : memref<3x10240xf32, #tpu.memory_space<vmem>>[vector<16xi32>, vector<16xi32>], vector<16xf32>, vector<16xi1>
    } {sc.loop_unroll_factor = 2 : i64, sc.parallel_access}
    "tpu.region"() ({
      %run_scoped3A = tpu.sem_alloc : memref<!tpu.dma_semaphore, #tpu.memory_space<semaphore_mem>>
      %dma_start3A = arith.constant 0 : i32
      %dma_start3A_27 = arith.constant 0 : i32
      %dma_start3A_28 = tpu.memref_slice %arg5[%add3A, %dma_start3A, %dma_start3A_27] : memref<32x3x10240xf32, #tpu.memory_space<hbm>> -> memref<1x3x10240xf32, #tpu.memory_space<hbm>>
      %dma_start3A_29 = tpu.memref_squeeze %dma_start3A_28 : memref<1x3x10240xf32, #tpu.memory_space<hbm>> -> memref<3x10240xf32, #tpu.memory_space<hbm>>
      %dma_start3A_30 = arith.constant 0 : i32
      %dma_start3A_31 = arith.constant 0 : i32
      %dma_start3A_32 = tpu.memref_slice %arg5[%add3A, %dma_start3A_30, %dma_start3A_31] : memref<32x3x10240xf32, #tpu.memory_space<hbm>> -> memref<1x3x10240xf32, #tpu.memory_space<hbm>>
      %dma_start3A_33 = tpu.memref_squeeze %dma_start3A_32 : memref<1x3x10240xf32, #tpu.memory_space<hbm>> -> memref<3x10240xf32, #tpu.memory_space<hbm>>
      tpu.enqueue_dma source(%arg9 : memref<3x10240xf32, #tpu.memory_space<vmem>>) target(%dma_start3A_33 : memref<3x10240xf32, #tpu.memory_space<hbm>>) target_semaphore(%run_scoped3A : memref<!tpu.dma_semaphore, #tpu.memory_space<semaphore_mem>>)
      %dma_wait3A = arith.constant 0 : i32
      %dma_wait3A_34 = arith.constant 0 : i32
      %dma_wait3A_35 = tpu.memref_slice %arg5[%add3A, %dma_wait3A, %dma_wait3A_34] : memref<32x3x10240xf32, #tpu.memory_space<hbm>> -> memref<1x3x10240xf32, #tpu.memory_space<hbm>>
      %dma_wait3A_36 = tpu.memref_squeeze %dma_wait3A_35 : memref<1x3x10240xf32, #tpu.memory_space<hbm>> -> memref<3x10240xf32, #tpu.memory_space<hbm>>
      %dma_wait3A_37 = arith.constant 0 : i32
      %dma_wait3A_38 = arith.constant 0 : i32
      %dma_wait3A_39 = tpu.memref_slice %arg5[%add3A, %dma_wait3A_37, %dma_wait3A_38] : memref<32x3x10240xf32, #tpu.memory_space<hbm>> -> memref<1x3x10240xf32, #tpu.memory_space<hbm>>
      %dma_wait3A_40 = tpu.memref_squeeze %dma_wait3A_39 : memref<1x3x10240xf32, #tpu.memory_space<hbm>> -> memref<3x10240xf32, #tpu.memory_space<hbm>>
      tpu.wait_dma2 semaphore(%run_scoped3A : memref<!tpu.dma_semaphore, #tpu.memory_space<semaphore_mem>>) src(%arg9 : memref<3x10240xf32, #tpu.memory_space<vmem>>) dst(%dma_wait3A_40 : memref<3x10240xf32, #tpu.memory_space<hbm>>)
      tpu.yield
    }) : () -> ()
    return
  }
}

#map = affine_map<(d0, d1) -> (0)>
#map1 = affine_map<(d0, d1) -> (0, 0, 0)>
module attributes {stable_mosaic.version = 14 : i64} {
  func.func @_seg_body(%arg0: i32, %arg1: i32, %arg2: memref<166400xf32, #tpu.memory_space<hbm>>, %arg3: memref<166400xf32, #tpu.memory_space<hbm>>, %arg4: memref<320000xi32, #tpu.memory_space<hbm>>, %arg5: memref<32x3x10240xf32, #tpu.memory_space<hbm>>, %arg6: memref<5232xi32, #tpu.memory_space<vmem>>, %arg7: memref<5200xf32, #tpu.memory_space<vmem>>, %arg8: memref<5200xf32, #tpu.memory_space<vmem>>, %arg9: memref<3x10240xf32, #tpu.memory_space<vmem>>) attributes {dimension_semantics = [#tpu.dimension_semantics<core_parallel>, #tpu.dimension_semantics<subcore_parallel>], iteration_bounds = array<i64: 2, 16>, scalar_prefetch = 0 : i64, scratch_operands = 4 : i64, tpu.core_type = #tpu.core_type<sc_vector_subcore>, window_params = [{transform_indices = #map}, {transform_indices = #map}, {transform_indices = #map}, {transform_indices = #map1}]} {
    %mul3A = arith.constant 2 : i32
    %mul3A_0 = arith.muli %arg1, %mul3A : i32
    %add3A = arith.addi %mul3A_0, %arg0 : i32
    %mul3A_1 = arith.constant 5200 : i32
    %mul3A_2 = arith.muli %add3A, %mul3A_1 : i32
    %add3A_3 = arith.constant 0 : i32
    %add3A_4 = arith.addi %add3A_3, %mul3A_2 : i32
    "tpu.region"() ({
      %run_scoped3A = tpu.sem_alloc : memref<!tpu.dma_semaphore, #tpu.memory_space<semaphore_mem>>
      %dma_start3A = arith.constant 16 : i32
      %dma_start3A_27 = tpu.memref_slice %arg6[%dma_start3A] : memref<5232xi32, #tpu.memory_space<vmem>> -> memref<5200xi32, #tpu.memory_space<vmem>>
      %dma_start3A_28 = tpu.memref_slice %arg4[%add3A_4] : memref<320000xi32, #tpu.memory_space<hbm>> -> memref<5200xi32, #tpu.memory_space<hbm>>
      %dma_start3A_29 = arith.constant 16 : i32
      %dma_start3A_30 = tpu.memref_slice %arg6[%dma_start3A_29] : memref<5232xi32, #tpu.memory_space<vmem>> -> memref<5200xi32, #tpu.memory_space<vmem>>
      %dma_start3A_31 = tpu.memref_slice %arg4[%add3A_4] : memref<320000xi32, #tpu.memory_space<hbm>> -> memref<5200xi32, #tpu.memory_space<hbm>>
      tpu.enqueue_dma source(%dma_start3A_31 : memref<5200xi32, #tpu.memory_space<hbm>>) target(%dma_start3A_30 : memref<5200xi32, #tpu.memory_space<vmem>>) target_semaphore(%run_scoped3A : memref<!tpu.dma_semaphore, #tpu.memory_space<semaphore_mem>>)
      %dma_wait3A = arith.constant 16 : i32
      %dma_wait3A_32 = tpu.memref_slice %arg6[%dma_wait3A] : memref<5232xi32, #tpu.memory_space<vmem>> -> memref<5200xi32, #tpu.memory_space<vmem>>
      %dma_wait3A_33 = tpu.memref_slice %arg4[%add3A_4] : memref<320000xi32, #tpu.memory_space<hbm>> -> memref<5200xi32, #tpu.memory_space<hbm>>
      %dma_wait3A_34 = arith.constant 16 : i32
      %dma_wait3A_35 = tpu.memref_slice %arg6[%dma_wait3A_34] : memref<5232xi32, #tpu.memory_space<vmem>> -> memref<5200xi32, #tpu.memory_space<vmem>>
      %dma_wait3A_36 = tpu.memref_slice %arg4[%add3A_4] : memref<320000xi32, #tpu.memory_space<hbm>> -> memref<5200xi32, #tpu.memory_space<hbm>>
      tpu.wait_dma2 semaphore(%run_scoped3A : memref<!tpu.dma_semaphore, #tpu.memory_space<semaphore_mem>>) src(%dma_wait3A_36 : memref<5200xi32, #tpu.memory_space<hbm>>) dst(%dma_wait3A_35 : memref<5200xi32, #tpu.memory_space<vmem>>)
      tpu.yield
    }) : () -> ()
    "tpu.region"() ({
      %run_scoped3A = tpu.sem_alloc : memref<!tpu.dma_semaphore, #tpu.memory_space<semaphore_mem>>
      %dma_start3A = tpu.memref_slice %arg2[%mul3A_2] : memref<166400xf32, #tpu.memory_space<hbm>> -> memref<5200xf32, #tpu.memory_space<hbm>>
      %dma_start3A_27 = tpu.memref_slice %arg2[%mul3A_2] : memref<166400xf32, #tpu.memory_space<hbm>> -> memref<5200xf32, #tpu.memory_space<hbm>>
      tpu.enqueue_dma source(%dma_start3A_27 : memref<5200xf32, #tpu.memory_space<hbm>>) target(%arg7 : memref<5200xf32, #tpu.memory_space<vmem>>) target_semaphore(%run_scoped3A : memref<!tpu.dma_semaphore, #tpu.memory_space<semaphore_mem>>)
      %dma_wait3A = tpu.memref_slice %arg2[%mul3A_2] : memref<166400xf32, #tpu.memory_space<hbm>> -> memref<5200xf32, #tpu.memory_space<hbm>>
      %dma_wait3A_28 = tpu.memref_slice %arg2[%mul3A_2] : memref<166400xf32, #tpu.memory_space<hbm>> -> memref<5200xf32, #tpu.memory_space<hbm>>
      tpu.wait_dma2 semaphore(%run_scoped3A : memref<!tpu.dma_semaphore, #tpu.memory_space<semaphore_mem>>) src(%dma_wait3A_28 : memref<5200xf32, #tpu.memory_space<hbm>>) dst(%arg7 : memref<5200xf32, #tpu.memory_space<vmem>>)
      tpu.yield
    }) : () -> ()
    "tpu.region"() ({
      %run_scoped3A = tpu.sem_alloc : memref<!tpu.dma_semaphore, #tpu.memory_space<semaphore_mem>>
      %dma_start3A = tpu.memref_slice %arg3[%mul3A_2] : memref<166400xf32, #tpu.memory_space<hbm>> -> memref<5200xf32, #tpu.memory_space<hbm>>
      %dma_start3A_27 = tpu.memref_slice %arg3[%mul3A_2] : memref<166400xf32, #tpu.memory_space<hbm>> -> memref<5200xf32, #tpu.memory_space<hbm>>
      tpu.enqueue_dma source(%dma_start3A_27 : memref<5200xf32, #tpu.memory_space<hbm>>) target(%arg8 : memref<5200xf32, #tpu.memory_space<vmem>>) target_semaphore(%run_scoped3A : memref<!tpu.dma_semaphore, #tpu.memory_space<semaphore_mem>>)
      %dma_wait3A = tpu.memref_slice %arg3[%mul3A_2] : memref<166400xf32, #tpu.memory_space<hbm>> -> memref<5200xf32, #tpu.memory_space<hbm>>
      %dma_wait3A_28 = tpu.memref_slice %arg3[%mul3A_2] : memref<166400xf32, #tpu.memory_space<hbm>> -> memref<5200xf32, #tpu.memory_space<hbm>>
      tpu.wait_dma2 semaphore(%run_scoped3A : memref<!tpu.dma_semaphore, #tpu.memory_space<semaphore_mem>>) src(%dma_wait3A_28 : memref<5200xf32, #tpu.memory_space<hbm>>) dst(%arg8 : memref<5200xf32, #tpu.memory_space<vmem>>)
      tpu.yield
    }) : () -> ()
    %broadcast_in_dim3A = arith.constant -1 : i32
    %broadcast_in_dim3A_5 = vector.broadcast %broadcast_in_dim3A : i32 to vector<16xi32>
    %swap3A = arith.constant 5216 : index
    %swap3A_6 = tpu.vector_load %arg6[%swap3A] {strides = array<i32>} : memref<5232xi32, #tpu.memory_space<vmem>>, vector<16xi32>,
    tpu.vector_store %arg6[%swap3A], %broadcast_in_dim3A_5 {strides = array<i32>} : memref<5232xi32, #tpu.memory_space<vmem>>, vector<16xi32>,
    %broadcast_in_dim3A_7 = arith.constant 0.000000e+00 : f32
    %broadcast_in_dim3A_8 = vector.broadcast %broadcast_in_dim3A_7 : f32 to vector<16xf32>
    %parallel_loop3A = arith.constant 0 : i32
    %parallel_loop3A_9 = arith.constant 640 : i32
    %parallel_loop3A_10 = arith.constant 1 : i32
    scf.for %parallel_loop3A_27 = %parallel_loop3A to %parallel_loop3A_9 step %parallel_loop3A_10  : i32 {
      %parallel_loop3A_28 = arith.constant 16 : i32
      %parallel_loop3A_29 = arith.muli %parallel_loop3A_27, %parallel_loop3A_28 : i32
      %parallel_loop3A_30 = arith.constant 0 : i32
      %parallel_loop3A_31 = arith.index_cast %parallel_loop3A_30 : i32 to index
      %parallel_loop3A_32 = arith.index_cast %parallel_loop3A_29 : i32 to index
      %parallel_loop3A_33 = tpu.vector_load %arg9[%parallel_loop3A_31, %parallel_loop3A_32] {strides = array<i32>} : memref<3x10240xf32, #tpu.memory_space<vmem>>, vector<16xf32>,
      tpu.vector_store %arg9[%parallel_loop3A_31, %parallel_loop3A_32], %broadcast_in_dim3A_8 {strides = array<i32>} : memref<3x10240xf32, #tpu.memory_space<vmem>>, vector<16xf32>,
      %parallel_loop3A_34 = arith.constant 1 : i32
      %parallel_loop3A_35 = arith.index_cast %parallel_loop3A_34 : i32 to index
      %parallel_loop3A_36 = arith.index_cast %parallel_loop3A_29 : i32 to index
      %parallel_loop3A_37 = tpu.vector_load %arg9[%parallel_loop3A_35, %parallel_loop3A_36] {strides = array<i32>} : memref<3x10240xf32, #tpu.memory_space<vmem>>, vector<16xf32>,
      tpu.vector_store %arg9[%parallel_loop3A_35, %parallel_loop3A_36], %broadcast_in_dim3A_8 {strides = array<i32>} : memref<3x10240xf32, #tpu.memory_space<vmem>>, vector<16xf32>,
      %parallel_loop3A_38 = arith.constant 2 : i32
      %parallel_loop3A_39 = arith.index_cast %parallel_loop3A_38 : i32 to index
      %parallel_loop3A_40 = arith.index_cast %parallel_loop3A_29 : i32 to index
      %parallel_loop3A_41 = tpu.vector_load %arg9[%parallel_loop3A_39, %parallel_loop3A_40] {strides = array<i32>} : memref<3x10240xf32, #tpu.memory_space<vmem>>, vector<16xf32>,
      tpu.vector_store %arg9[%parallel_loop3A_39, %parallel_loop3A_40], %broadcast_in_dim3A_8 {strides = array<i32>} : memref<3x10240xf32, #tpu.memory_space<vmem>>, vector<16xf32>,
    } {sc.loop_unroll_factor = 1 : i64, sc.parallel_access}
    %iota3A = tpu.iota {dimensions = array<i32: 0>} : vector<16xi32>
    %convert_element_type3A = arith.sitofp %iota3A : vector<16xi32> to vector<16xf32>
    %add3A_11 = arith.constant 1.000000e+00 : f32
    %add3A_12 = vector.broadcast %add3A_11 : f32 to vector<16xf32>
    %add3A_13 = arith.addf %convert_element_type3A, %add3A_12 : vector<16xf32>
    %eq3A = arith.constant 15 : i32
    %eq3A_14 = vector.broadcast %eq3A : i32 to vector<16xi32>
    %eq3A_15 = arith.cmpi eq, %iota3A, %eq3A_14 : vector<16xi32>
    %broadcast_in_dim3A_16 = arith.constant 0 : i32
    %broadcast_in_dim3A_17 = vector.broadcast %broadcast_in_dim3A_16 : i32 to vector<16xi32>
    %add3A_18 = arith.constant 1 : i32
    %add3A_19 = vector.broadcast %add3A_18 : i32 to vector<16xi32>
    %add3A_20 = arith.addi %broadcast_in_dim3A_17, %add3A_19 : vector<16xi32>
    %add3A_21 = arith.constant 2 : i32
    %add3A_22 = vector.broadcast %add3A_21 : i32 to vector<16xi32>
    %add3A_23 = arith.addi %broadcast_in_dim3A_17, %add3A_22 : vector<16xi32>
    %parallel_loop3A_24 = arith.constant 0 : i32
    %parallel_loop3A_25 = arith.constant 325 : i32
    %parallel_loop3A_26 = arith.constant 1 : i32
    scf.for %parallel_loop3A_27 = %parallel_loop3A_24 to %parallel_loop3A_25 step %parallel_loop3A_26  : i32 {
      %parallel_loop3A_28 = arith.constant 16 : i32
      %parallel_loop3A_29 = arith.muli %parallel_loop3A_27, %parallel_loop3A_28 : i32
      %parallel_loop3A_30 = arith.constant 16 : i32
      %parallel_loop3A_31 = arith.addi %parallel_loop3A_30, %parallel_loop3A_29 : i32
      %parallel_loop3A_32 = arith.index_cast %parallel_loop3A_31 : i32 to index
      %parallel_loop3A_33 = tpu.vector_load %arg6[%parallel_loop3A_32] {strides = array<i32>} : memref<5232xi32, #tpu.memory_space<vmem>>, vector<16xi32>,
      %parallel_loop3A_34 = arith.constant 15 : i32
      %parallel_loop3A_35 = arith.addi %parallel_loop3A_34, %parallel_loop3A_29 : i32
      %parallel_loop3A_36 = arith.index_cast %parallel_loop3A_35 : i32 to index
      %parallel_loop3A_37 = tpu.vector_load %arg6[%parallel_loop3A_36] {strides = array<i32>} : memref<5232xi32, #tpu.memory_space<vmem>>, vector<16xi32>,
      %parallel_loop3A_38 = arith.constant 17 : i32
      %parallel_loop3A_39 = arith.addi %parallel_loop3A_38, %parallel_loop3A_29 : i32
      %parallel_loop3A_40 = arith.index_cast %parallel_loop3A_39 : i32 to index
      %parallel_loop3A_41 = tpu.vector_load %arg6[%parallel_loop3A_40] {strides = array<i32>} : memref<5232xi32, #tpu.memory_space<vmem>>, vector<16xi32>,
      %parallel_loop3A_42 = arith.cmpi ne, %parallel_loop3A_33, %parallel_loop3A_37 : vector<16xi32>
      %parallel_loop3A_43 = arith.cmpi ne, %parallel_loop3A_33, %parallel_loop3A_41 : vector<16xi32>
      %parallel_loop3A_44 = arith.ori %parallel_loop3A_43, %eq3A_15 : vector<16xi1>
      %parallel_loop3A_45 = arith.index_cast %parallel_loop3A_29 : i32 to index
      %parallel_loop3A_46 = tpu.vector_load %arg7[%parallel_loop3A_45] {strides = array<i32>} : memref<5200xf32, #tpu.memory_space<vmem>>, vector<16xf32>,
      %parallel_loop3A_47 = arith.index_cast %parallel_loop3A_29 : i32 to index
      %parallel_loop3A_48 = tpu.vector_load %arg8[%parallel_loop3A_47] {strides = array<i32>} : memref<5200xf32, #tpu.memory_space<vmem>>, vector<16xf32>,
      %parallel_loop3A_49 = arith.constant true
      %parallel_loop3A_50 = vector.broadcast %parallel_loop3A_49 : i1 to vector<16xi1>
      %parallel_loop3A_51 = tpu.scan <sum>, %parallel_loop3A_46 masked %parallel_loop3A_50 : vector<16xf32>, vector<16xi1> -> vector<16xf32>
      %parallel_loop3A_52 = arith.constant true
      %parallel_loop3A_53 = vector.broadcast %parallel_loop3A_52 : i1 to vector<16xi1>
      %parallel_loop3A_54 = tpu.scan <sum>, %parallel_loop3A_48 masked %parallel_loop3A_53 : vector<16xf32>, vector<16xi1> -> vector<16xf32>
      tpu.vector_store_idx %arg9[%broadcast_in_dim3A_17, %parallel_loop3A_33], %parallel_loop3A_51 masked %parallel_loop3A_44 {add = true} : memref<3x10240xf32, #tpu.memory_space<vmem>>[vector<16xi32>, vector<16xi32>], vector<16xf32>, vector<16xi1>
      tpu.vector_store_idx %arg9[%add3A_20, %parallel_loop3A_33], %parallel_loop3A_54 masked %parallel_loop3A_44 {add = true} : memref<3x10240xf32, #tpu.memory_space<vmem>>[vector<16xi32>, vector<16xi32>], vector<16xf32>, vector<16xi1>
      tpu.vector_store_idx %arg9[%add3A_23, %parallel_loop3A_33], %add3A_13 masked %parallel_loop3A_44 {add = true} : memref<3x10240xf32, #tpu.memory_space<vmem>>[vector<16xi32>, vector<16xi32>], vector<16xf32>, vector<16xi1>
      %parallel_loop3A_55 = arith.subf %parallel_loop3A_46, %parallel_loop3A_51 : vector<16xf32>
      tpu.vector_store_idx %arg9[%broadcast_in_dim3A_17, %parallel_loop3A_33], %parallel_loop3A_55 masked %parallel_loop3A_42 {add = true} : memref<3x10240xf32, #tpu.memory_space<vmem>>[vector<16xi32>, vector<16xi32>], vector<16xf32>, vector<16xi1>
      %parallel_loop3A_56 = arith.subf %parallel_loop3A_48, %parallel_loop3A_54 : vector<16xf32>
      tpu.vector_store_idx %arg9[%add3A_20, %parallel_loop3A_33], %parallel_loop3A_56 masked %parallel_loop3A_42 {add = true} : memref<3x10240xf32, #tpu.memory_space<vmem>>[vector<16xi32>, vector<16xi32>], vector<16xf32>, vector<16xi1>
      %parallel_loop3A_57 = arith.constant 0.000000e+00 : f32
      %parallel_loop3A_58 = vector.broadcast %parallel_loop3A_57 : f32 to vector<16xf32>
      %parallel_loop3A_59 = arith.subf %parallel_loop3A_58, %convert_element_type3A : vector<16xf32>
      tpu.vector_store_idx %arg9[%add3A_23, %parallel_loop3A_33], %parallel_loop3A_59 masked %parallel_loop3A_42 {add = true} : memref<3x10240xf32, #tpu.memory_space<vmem>>[vector<16xi32>, vector<16xi32>], vector<16xf32>, vector<16xi1>
    } {sc.loop_unroll_factor = 2 : i64, sc.parallel_access}
    "tpu.region"() ({
      %run_scoped3A = tpu.sem_alloc : memref<!tpu.dma_semaphore, #tpu.memory_space<semaphore_mem>>
      %dma_start3A = arith.constant 0 : i32
      %dma_start3A_27 = arith.constant 0 : i32
      %dma_start3A_28 = tpu.memref_slice %arg5[%add3A, %dma_start3A, %dma_start3A_27] : memref<32x3x10240xf32, #tpu.memory_space<hbm>> -> memref<1x3x10240xf32, #tpu.memory_space<hbm>>
      %dma_start3A_29 = tpu.memref_squeeze %dma_start3A_28 : memref<1x3x10240xf32, #tpu.memory_space<hbm>> -> memref<3x10240xf32, #tpu.memory_space<hbm>>
      %dma_start3A_30 = arith.constant 0 : i32
      %dma_start3A_31 = arith.constant 0 : i32
      %dma_start3A_32 = tpu.memref_slice %arg5[%add3A, %dma_start3A_30, %dma_start3A_31] : memref<32x3x10240xf32, #tpu.memory_space<hbm>> -> memref<1x3x10240xf32, #tpu.memory_space<hbm>>
      %dma_start3A_33 = tpu.memref_squeeze %dma_start3A_32 : memref<1x3x10240xf32, #tpu.memory_space<hbm>> -> memref<3x10240xf32, #tpu.memory_space<hbm>>
      tpu.enqueue_dma source(%arg9 : memref<3x10240xf32, #tpu.memory_space<vmem>>) target(%dma_start3A_33 : memref<3x10240xf32, #tpu.memory_space<hbm>>) target_semaphore(%run_scoped3A : memref<!tpu.dma_semaphore, #tpu.memory_space<semaphore_mem>>)
      %dma_wait3A = arith.constant 0 : i32
      %dma_wait3A_34 = arith.constant 0 : i32
      %dma_wait3A_35 = tpu.memref_slice %arg5[%add3A, %dma_wait3A, %dma_wait3A_34] : memref<32x3x10240xf32, #tpu.memory_space<hbm>> -> memref<1x3x10240xf32, #tpu.memory_space<hbm>>
      %dma_wait3A_36 = tpu.memref_squeeze %dma_wait3A_35 : memref<1x3x10240xf32, #tpu.memory_space<hbm>> -> memref<3x10240xf32, #tpu.memory_space<hbm>>
      %dma_wait3A_37 = arith.constant 0 : i32
      %dma_wait3A_38 = arith.constant 0 : i32
      %dma_wait3A_39 = tpu.memref_slice %arg5[%add3A, %dma_wait3A_37, %dma_wait3A_38] : memref<32x3x10240xf32, #tpu.memory_space<hbm>> -> memref<1x3x10240xf32, #tpu.memory_space<hbm>>
      %dma_wait3A_40 = tpu.memref_squeeze %dma_wait3A_39 : memref<1x3x10240xf32, #tpu.memory_space<hbm>> -> memref<3x10240xf32, #tpu.memory_space<hbm>>
      tpu.wait_dma2 semaphore(%run_scoped3A : memref<!tpu.dma_semaphore, #tpu.memory_space<semaphore_mem>>) src(%arg9 : memref<3x10240xf32, #tpu.memory_space<vmem>>) dst(%dma_wait3A_40 : memref<3x10240xf32, #tpu.memory_space<hbm>>)
      tpu.yield
    }) : () -> ()
    return
  }
}

module attributes {stable_mosaic.version = 14 : i64} {
  func.func @_embed_body(%arg0: i32, %arg1: memref<12800x128xf32, #tpu.memory_space<vmem>>, %arg2: memref<8x128xf32, #tpu.memory_space<vmem>>, %arg3: memref<8x128xf32, #tpu.memory_space<vmem>>, %arg4: memref<1x12800xf32, #tpu.memory_space<vmem>>, %arg5: memref<1x12800xf32, #tpu.memory_space<vmem>>) attributes {dimension_semantics = [#tpu.dimension_semantics<arbitrary>], iteration_bounds = array<i64: 12>, scalar_prefetch = 0 : i64, scratch_operands = 0 : i64, tpu.core_type = #tpu.core_type<tc>, window_params = [{transform_indices = @transform_0, window_bounds = array<i64: 12800, 128>}, {pipeline_mode = #tpu.pipeline_mode<synchronous>, transform_indices = @transform_1, window_bounds = array<i64: 8, 128>}, {pipeline_mode = #tpu.pipeline_mode<synchronous>, transform_indices = @transform_2, window_bounds = array<i64: 8, 128>}, {transform_indices = @transform_3, window_bounds = array<i64: 1, 12800>}, {transform_indices = @transform_4, window_bounds = array<i64: 1, 12800>}]} {
    %get3A = arith.constant 0 : index
    %get3A_0 = arith.constant 0 : index
    %get3A_1 = vector.load %arg1[%get3A, %get3A_0] : memref<12800x128xf32, #tpu.memory_space<vmem>>, vector<12800x128xf32>
    %get3A_2 = arith.constant 0 : index
    %get3A_3 = arith.constant 0 : index
    %get3A_4 = vector.load %arg2[%get3A_2, %get3A_3] : memref<8x128xf32, #tpu.memory_space<vmem>>, vector<8x128xf32>
    %dot_general3A = arith.constant dense<0.000000e+00> : vector<8x12800xf32>
    %dot_general3A_5 = tpu.matmul %get3A_4, %get3A_1, %dot_general3A {dimension_numbers = #tpu.dot_dimension_numbers<[1], [1], [0], [0], [0, 0, 1, 0], [], []>, transpose_lhs_hint = false} : vector<8x128xf32>, vector<12800x128xf32>, vector<8x12800xf32> -> vector<8x12800xf32>
    %get3A_6 = arith.constant 0 : index
    %get3A_7 = arith.constant 0 : index
    %get3A_8 = vector.load %arg3[%get3A_6, %get3A_7] : memref<8x128xf32, #tpu.memory_space<vmem>>, vector<8x128xf32>
    %slice3A = vector.extract_strided_slice %get3A_8 {offsets = [0, 0], sizes = [8, 1], strides = [1, 1]} : vector<8x128xf32> to vector<8x1xf32>
    %add3A = vector.broadcast %slice3A : vector<8x1xf32> to vector<8x12800xf32>
    %add3A_9 = arith.addf %dot_general3A_5, %add3A : vector<8x12800xf32>
    %slice3A_10 = vector.extract_strided_slice %add3A_9 {offsets = [0, 0], sizes = [1, 12800], strides = [1, 1]} : vector<8x12800xf32> to vector<1x12800xf32>
    %slice3A_11 = vector.extract_strided_slice %add3A_9 {offsets = [1, 0], sizes = [1, 12800], strides = [1, 1]} : vector<8x12800xf32> to vector<1x12800xf32>
    %add3A_12 = arith.addf %slice3A_10, %slice3A_11 : vector<1x12800xf32>
    %max3A = arith.constant 0.000000e+00 : f32
    %max3A_13 = vector.broadcast %max3A : f32 to vector<1x12800xf32>
    %max3A_14 = arith.maximumf %add3A_12, %max3A_13 : vector<1x12800xf32>
    %swap3A = arith.constant 0 : index
    %swap3A_15 = arith.constant 0 : index
    %swap3A_16 = vector.load %arg4[%swap3A, %swap3A_15] : memref<1x12800xf32, #tpu.memory_space<vmem>>, vector<1x12800xf32>
    tpu.vector_store %arg4[%swap3A, %swap3A_15], %max3A_14 {strides = array<i32>} : memref<1x12800xf32, #tpu.memory_space<vmem>>, vector<1x12800xf32>,
    %slice3A_17 = vector.extract_strided_slice %add3A_9 {offsets = [2, 0], sizes = [1, 12800], strides = [1, 1]} : vector<8x12800xf32> to vector<1x12800xf32>
    %slice3A_18 = vector.extract_strided_slice %add3A_9 {offsets = [3, 0], sizes = [1, 12800], strides = [1, 1]} : vector<8x12800xf32> to vector<1x12800xf32>
    %add3A_19 = arith.addf %slice3A_17, %slice3A_18 : vector<1x12800xf32>
    %max3A_20 = arith.constant 0.000000e+00 : f32
    %max3A_21 = vector.broadcast %max3A_20 : f32 to vector<1x12800xf32>
    %max3A_22 = arith.maximumf %add3A_19, %max3A_21 : vector<1x12800xf32>
    %swap3A_23 = arith.constant 0 : index
    %swap3A_24 = arith.constant 0 : index
    %swap3A_25 = vector.load %arg5[%swap3A_23, %swap3A_24] : memref<1x12800xf32, #tpu.memory_space<vmem>>, vector<1x12800xf32>
    tpu.vector_store %arg5[%swap3A_23, %swap3A_24], %max3A_22 {strides = array<i32>} : memref<1x12800xf32, #tpu.memory_space<vmem>>, vector<1x12800xf32>,
    return
  }
  func.func @transform_0(%arg0: i32) -> (i32, i32) {
    %add3A = arith.constant 13 : i32
    %add3A_0 = arith.addi %add3A, %arg0 : i32
    %c0_i32 = arith.constant 0 : i32
    %c0_i32_1 = arith.constant 0 : i32
    return %add3A_0, %c0_i32 : i32, i32
  }
  func.func @transform_1(%arg0: i32) -> (i32, i32) {
    %c0_i32 = arith.constant 0 : i32
    %c0_i32_0 = arith.constant 0 : i32
    %c0_i32_1 = arith.constant 0 : i32
    return %c0_i32, %c0_i32_0 : i32, i32
  }
  func.func @transform_2(%arg0: i32) -> (i32, i32) {
    %c0_i32 = arith.constant 0 : i32
    %c0_i32_0 = arith.constant 0 : i32
    %c0_i32_1 = arith.constant 0 : i32
    return %c0_i32, %c0_i32_0 : i32, i32
  }
  func.func @transform_3(%arg0: i32) -> (i32, i32) {
    %c0_i32 = arith.constant 0 : i32
    %c0_i32_0 = arith.constant 0 : i32
    return %c0_i32, %arg0 : i32, i32
  }
  func.func @transform_4(%arg0: i32) -> (i32, i32) {
    %c0_i32 = arith.constant 0 : i32
    %c0_i32_0 = arith.constant 0 : i32
    return %c0_i32, %arg0 : i32, i32
  }
}

module attributes {stable_mosaic.version = 14 : i64} {
  func.func @_embed_body(%arg0: i32, %arg1: memref<12800x128xf32, #tpu.memory_space<vmem>>, %arg2: memref<8x128xf32, #tpu.memory_space<vmem>>, %arg3: memref<8x128xf32, #tpu.memory_space<vmem>>, %arg4: memref<1x12800xf32, #tpu.memory_space<vmem>>, %arg5: memref<1x12800xf32, #tpu.memory_space<vmem>>) attributes {dimension_semantics = [#tpu.dimension_semantics<arbitrary>], iteration_bounds = array<i64: 13>, scalar_prefetch = 0 : i64, scratch_operands = 0 : i64, tpu.core_type = #tpu.core_type<tc>, window_params = [{transform_indices = @transform_0, window_bounds = array<i64: 12800, 128>}, {pipeline_mode = #tpu.pipeline_mode<synchronous>, transform_indices = @transform_1, window_bounds = array<i64: 8, 128>}, {pipeline_mode = #tpu.pipeline_mode<synchronous>, transform_indices = @transform_2, window_bounds = array<i64: 8, 128>}, {transform_indices = @transform_3, window_bounds = array<i64: 1, 12800>}, {transform_indices = @transform_4, window_bounds = array<i64: 1, 12800>}]} {
    %get3A = arith.constant 0 : index
    %get3A_0 = arith.constant 0 : index
    %get3A_1 = vector.load %arg1[%get3A, %get3A_0] : memref<12800x128xf32, #tpu.memory_space<vmem>>, vector<12800x128xf32>
    %get3A_2 = arith.constant 0 : index
    %get3A_3 = arith.constant 0 : index
    %get3A_4 = vector.load %arg2[%get3A_2, %get3A_3] : memref<8x128xf32, #tpu.memory_space<vmem>>, vector<8x128xf32>
    %dot_general3A = arith.constant dense<0.000000e+00> : vector<8x12800xf32>
    %dot_general3A_5 = tpu.matmul %get3A_4, %get3A_1, %dot_general3A {dimension_numbers = #tpu.dot_dimension_numbers<[1], [1], [0], [0], [0, 0, 1, 0], [], []>, transpose_lhs_hint = false} : vector<8x128xf32>, vector<12800x128xf32>, vector<8x12800xf32> -> vector<8x12800xf32>
    %get3A_6 = arith.constant 0 : index
    %get3A_7 = arith.constant 0 : index
    %get3A_8 = vector.load %arg3[%get3A_6, %get3A_7] : memref<8x128xf32, #tpu.memory_space<vmem>>, vector<8x128xf32>
    %slice3A = vector.extract_strided_slice %get3A_8 {offsets = [0, 0], sizes = [8, 1], strides = [1, 1]} : vector<8x128xf32> to vector<8x1xf32>
    %add3A = vector.broadcast %slice3A : vector<8x1xf32> to vector<8x12800xf32>
    %add3A_9 = arith.addf %dot_general3A_5, %add3A : vector<8x12800xf32>
    %slice3A_10 = vector.extract_strided_slice %add3A_9 {offsets = [0, 0], sizes = [1, 12800], strides = [1, 1]} : vector<8x12800xf32> to vector<1x12800xf32>
    %slice3A_11 = vector.extract_strided_slice %add3A_9 {offsets = [1, 0], sizes = [1, 12800], strides = [1, 1]} : vector<8x12800xf32> to vector<1x12800xf32>
    %add3A_12 = arith.addf %slice3A_10, %slice3A_11 : vector<1x12800xf32>
    %max3A = arith.constant 0.000000e+00 : f32
    %max3A_13 = vector.broadcast %max3A : f32 to vector<1x12800xf32>
    %max3A_14 = arith.maximumf %add3A_12, %max3A_13 : vector<1x12800xf32>
    %swap3A = arith.constant 0 : index
    %swap3A_15 = arith.constant 0 : index
    %swap3A_16 = vector.load %arg4[%swap3A, %swap3A_15] : memref<1x12800xf32, #tpu.memory_space<vmem>>, vector<1x12800xf32>
    tpu.vector_store %arg4[%swap3A, %swap3A_15], %max3A_14 {strides = array<i32>} : memref<1x12800xf32, #tpu.memory_space<vmem>>, vector<1x12800xf32>,
    %slice3A_17 = vector.extract_strided_slice %add3A_9 {offsets = [2, 0], sizes = [1, 12800], strides = [1, 1]} : vector<8x12800xf32> to vector<1x12800xf32>
    %slice3A_18 = vector.extract_strided_slice %add3A_9 {offsets = [3, 0], sizes = [1, 12800], strides = [1, 1]} : vector<8x12800xf32> to vector<1x12800xf32>
    %add3A_19 = arith.addf %slice3A_17, %slice3A_18 : vector<1x12800xf32>
    %max3A_20 = arith.constant 0.000000e+00 : f32
    %max3A_21 = vector.broadcast %max3A_20 : f32 to vector<1x12800xf32>
    %max3A_22 = arith.maximumf %add3A_19, %max3A_21 : vector<1x12800xf32>
    %swap3A_23 = arith.constant 0 : index
    %swap3A_24 = arith.constant 0 : index
    %swap3A_25 = vector.load %arg5[%swap3A_23, %swap3A_24] : memref<1x12800xf32, #tpu.memory_space<vmem>>, vector<1x12800xf32>
    tpu.vector_store %arg5[%swap3A_23, %swap3A_24], %max3A_22 {strides = array<i32>} : memref<1x12800xf32, #tpu.memory_space<vmem>>, vector<1x12800xf32>,
    return
  }
  func.func @transform_0(%arg0: i32) -> (i32, i32) {
    %add3A = arith.constant 0 : i32
    %add3A_0 = arith.addi %add3A, %arg0 : i32
    %c0_i32 = arith.constant 0 : i32
    %c0_i32_1 = arith.constant 0 : i32
    return %add3A_0, %c0_i32 : i32, i32
  }
  func.func @transform_1(%arg0: i32) -> (i32, i32) {
    %c0_i32 = arith.constant 0 : i32
    %c0_i32_0 = arith.constant 0 : i32
    %c0_i32_1 = arith.constant 0 : i32
    return %c0_i32, %c0_i32_0 : i32, i32
  }
  func.func @transform_2(%arg0: i32) -> (i32, i32) {
    %c0_i32 = arith.constant 0 : i32
    %c0_i32_0 = arith.constant 0 : i32
    %c0_i32_1 = arith.constant 0 : i32
    return %c0_i32, %c0_i32_0 : i32, i32
  }
  func.func @transform_3(%arg0: i32) -> (i32, i32) {
    %c0_i32 = arith.constant 0 : i32
    %c0_i32_0 = arith.constant 0 : i32
    return %c0_i32, %arg0 : i32, i32
  }
  func.func @transform_4(%arg0: i32) -> (i32, i32) {
    %c0_i32 = arith.constant 0 : i32
    %c0_i32_0 = arith.constant 0 : i32
    return %c0_i32, %arg0 : i32, i32
  }
}

module attributes {stable_mosaic.version = 14 : i64} {
  func.func @_mix_body(%arg0: i32, %arg1: memref<1x3x10240xf32, #tpu.memory_space<vmem>>, %arg2: memref<1x3x10240xf32, #tpu.memory_space<vmem>>, %arg3: memref<8x128xf32, #tpu.memory_space<vmem>>, %arg4: memref<8x128xf32, #tpu.memory_space<vmem>>, %arg5: memref<8x8xf32, #tpu.memory_space<vmem>>, %arg6: memref<8x8xf32, #tpu.memory_space<vmem>>, %arg7: memref<8x10240xf32, #tpu.memory_space<vmem>>, %arg8: memref<3x10240xf32, #tpu.memory_space<vmem>>) attributes {dimension_semantics = [#tpu.dimension_semantics<arbitrary>], iteration_bounds = array<i64: 32>, scalar_prefetch = 0 : i64, scratch_operands = 1 : i64, tpu.core_type = #tpu.core_type<tc>, window_params = [{transform_indices = @transform_0, window_bounds = array<i64: 1, 3, 10240>}, {transform_indices = @transform_1, window_bounds = array<i64: 1, 3, 10240>}, {pipeline_mode = #tpu.pipeline_mode<synchronous>, transform_indices = @transform_2, window_bounds = array<i64: 8, 128>}, {pipeline_mode = #tpu.pipeline_mode<synchronous>, transform_indices = @transform_3, window_bounds = array<i64: 8, 128>}, {pipeline_mode = #tpu.pipeline_mode<synchronous>, transform_indices = @transform_4, window_bounds = array<i64: 8, 8>}, {pipeline_mode = #tpu.pipeline_mode<synchronous>, transform_indices = @transform_5, window_bounds = array<i64: 8, 8>}, {pipeline_mode = #tpu.pipeline_mode<synchronous>, transform_indices = @transform_6, window_bounds = array<i64: 8, 10240>}]} {
    %get3A = arith.constant 0 : index
    %get3A_0 = arith.constant 0 : index
    %get3A_1 = arith.constant 0 : index
    %get3A_2 = vector.load %arg1[%get3A, %get3A_0, %get3A_1] : memref<1x3x10240xf32, #tpu.memory_space<vmem>>, vector<1x3x10240xf32>
    %squeeze3A = vector.shape_cast %get3A_2 : vector<1x3x10240xf32> to vector<3x10240xf32>
    %get3A_3 = arith.constant 0 : index
    %get3A_4 = arith.constant 0 : index
    %get3A_5 = arith.constant 0 : index
    %get3A_6 = vector.load %arg2[%get3A_3, %get3A_4, %get3A_5] : memref<1x3x10240xf32, #tpu.memory_space<vmem>>, vector<1x3x10240xf32>
    %squeeze3A_7 = vector.shape_cast %get3A_6 : vector<1x3x10240xf32> to vector<3x10240xf32>
    %add3A = arith.addf %squeeze3A, %squeeze3A_7 : vector<3x10240xf32>
    %eq3A = arith.constant 0 : i32
    %eq3A_8 = arith.cmpi eq, %arg0, %eq3A : i32
    %convert_element_type3A = arith.extui %eq3A_8 : i1 to i32
    %cond3A = arith.constant 0 : i32
    %cond3A_9 = arith.cmpi ne, %convert_element_type3A, %cond3A : i32
    scf.if %cond3A_9 {
      %swap3A = arith.constant 0 : index
      %swap3A_19 = arith.constant 0 : index
      %swap3A_20 = vector.load %arg8[%swap3A, %swap3A_19] : memref<3x10240xf32, #tpu.memory_space<vmem>>, vector<3x10240xf32>
      tpu.vector_store %arg8[%swap3A, %swap3A_19], %add3A {strides = array<i32>} : memref<3x10240xf32, #tpu.memory_space<vmem>>, vector<3x10240xf32>,
    } else {
    }
    %gt3A = arith.constant 0 : i32
    %gt3A_10 = arith.cmpi sgt, %arg0, %gt3A : i32
    %convert_element_type3A_11 = arith.extui %gt3A_10 : i1 to i32
    %cond3A_12 = arith.constant 0 : i32
    %cond3A_13 = arith.cmpi ne, %convert_element_type3A_11, %cond3A_12 : i32
    scf.if %cond3A_13 {
      %get3A_19 = arith.constant 0 : index
      %get3A_20 = arith.constant 0 : index
      %get3A_21 = vector.load %arg8[%get3A_19, %get3A_20] : memref<3x10240xf32, #tpu.memory_space<vmem>>, vector<3x10240xf32>
      %add3A_22 = arith.addf %get3A_21, %add3A : vector<3x10240xf32>
      %swap3A = arith.constant 0 : index
      %swap3A_23 = arith.constant 0 : index
      %swap3A_24 = vector.load %arg8[%swap3A, %swap3A_23] : memref<3x10240xf32, #tpu.memory_space<vmem>>, vector<3x10240xf32>
      tpu.vector_store %arg8[%swap3A, %swap3A_23], %add3A_22 {strides = array<i32>} : memref<3x10240xf32, #tpu.memory_space<vmem>>, vector<3x10240xf32>,
    } else {
    }
    %eq3A_14 = arith.constant 31 : i32
    %eq3A_15 = arith.cmpi eq, %arg0, %eq3A_14 : i32
    %convert_element_type3A_16 = arith.extui %eq3A_15 : i1 to i32
    %cond3A_17 = arith.constant 0 : i32
    %cond3A_18 = arith.cmpi ne, %convert_element_type3A_16, %cond3A_17 : i32
    scf.if %cond3A_18 {
      %get3A_19 = arith.constant 0 : index
      %get3A_20 = arith.constant 0 : index
      %get3A_21 = vector.load %arg8[%get3A_19, %get3A_20] : memref<3x10240xf32, #tpu.memory_space<vmem>>, vector<3x10240xf32>
      %broadcast_in_dim3A = arith.constant 1.000000e+00 : f32
      %broadcast_in_dim3A_22 = vector.broadcast %broadcast_in_dim3A : f32 to vector<1x10240xf32>
      %broadcast_in_dim3A_23 = arith.constant 0.000000e+00 : f32
      %broadcast_in_dim3A_24 = vector.broadcast %broadcast_in_dim3A_23 : f32 to vector<4x10240xf32>
      %concatenate3A = tpu.concatenate %get3A_21, %broadcast_in_dim3A_22, %broadcast_in_dim3A_24 in 0 : vector<3x10240xf32>, vector<1x10240xf32>, vector<4x10240xf32> -> vector<8x10240xf32>
      %get3A_25 = arith.constant 0 : index
      %get3A_26 = arith.constant 0 : index
      %get3A_27 = vector.load %arg3[%get3A_25, %get3A_26] : memref<8x128xf32, #tpu.memory_space<vmem>>, vector<8x128xf32>
      %get3A_28 = arith.constant 0 : index
      %get3A_29 = arith.constant 0 : index
      %get3A_30 = vector.load %arg4[%get3A_28, %get3A_29] : memref<8x128xf32, #tpu.memory_space<vmem>>, vector<8x128xf32>
      %dot_general3A = arith.constant dense<0.000000e+00> : vector<8x8xf32>
      %dot_general3A_31 = tpu.matmul %get3A_27, %get3A_30, %dot_general3A {dimension_numbers = #tpu.dot_dimension_numbers<[1], [1], [0], [0], [0, 0, 1, 0], [], []>, precision = #tpu.contract_precision<fp32>, transpose_lhs_hint = false} : vector<8x128xf32>, vector<8x128xf32>, vector<8x8xf32> -> vector<8x8xf32>
      %get3A_32 = arith.constant 0 : index
      %get3A_33 = arith.constant 0 : index
      %get3A_34 = vector.load %arg5[%get3A_32, %get3A_33] : memref<8x8xf32, #tpu.memory_space<vmem>>, vector<8x8xf32>
      %add3A_35 = arith.addf %dot_general3A_31, %get3A_34 : vector<8x8xf32>
      %dot_general3A_36 = arith.constant dense<0.000000e+00> : vector<8x10240xf32>
      %dot_general3A_37 = tpu.matmul %add3A_35, %concatenate3A, %dot_general3A_36 {dimension_numbers = #tpu.dot_dimension_numbers<[1], [0], [0], [1], [0, 0, 1, 1], [], []>, precision = #tpu.contract_precision<fp32>, transpose_lhs_hint = false} : vector<8x8xf32>, vector<8x10240xf32>, vector<8x10240xf32> -> vector<8x10240xf32>
      %max3A = arith.constant 0.000000e+00 : f32
      %max3A_38 = vector.broadcast %max3A : f32 to vector<8x10240xf32>
      %max3A_39 = arith.maximumf %dot_general3A_37, %max3A_38 : vector<8x10240xf32>
      %get3A_40 = arith.constant 0 : index
      %get3A_41 = arith.constant 0 : index
      %get3A_42 = vector.load %arg6[%get3A_40, %get3A_41] : memref<8x8xf32, #tpu.memory_space<vmem>>, vector<8x8xf32>
      %dot_general3A_43 = arith.constant dense<0.000000e+00> : vector<8x10240xf32>
      %dot_general3A_44 = tpu.matmul %get3A_42, %max3A_39, %dot_general3A_43 {dimension_numbers = #tpu.dot_dimension_numbers<[1], [0], [0], [1], [0, 0, 1, 1], [], []>, precision = #tpu.contract_precision<fp32>, transpose_lhs_hint = false} : vector<8x8xf32>, vector<8x10240xf32>, vector<8x10240xf32> -> vector<8x10240xf32>
      %swap3A = arith.constant 0 : index
      %swap3A_45 = arith.constant 0 : index
      %swap3A_46 = vector.load %arg7[%swap3A, %swap3A_45] : memref<8x10240xf32, #tpu.memory_space<vmem>>, vector<8x10240xf32>
      tpu.vector_store %arg7[%swap3A, %swap3A_45], %dot_general3A_44 {strides = array<i32>} : memref<8x10240xf32, #tpu.memory_space<vmem>>, vector<8x10240xf32>,
    } else {
    }
    return
  }
  func.func @transform_0(%arg0: i32) -> (i32, i32, i32) {
    %c0_i32 = arith.constant 0 : i32
    %c0_i32_0 = arith.constant 0 : i32
    %c0_i32_1 = arith.constant 0 : i32
    return %arg0, %c0_i32, %c0_i32_0 : i32, i32, i32
  }
  func.func @transform_1(%arg0: i32) -> (i32, i32, i32) {
    %c0_i32 = arith.constant 0 : i32
    %c0_i32_0 = arith.constant 0 : i32
    %c0_i32_1 = arith.constant 0 : i32
    return %arg0, %c0_i32, %c0_i32_0 : i32, i32, i32
  }
  func.func @transform_2(%arg0: i32) -> (i32, i32) {
    %c0_i32 = arith.constant 0 : i32
    %c0_i32_0 = arith.constant 0 : i32
    %c0_i32_1 = arith.constant 0 : i32
    return %c0_i32, %c0_i32_0 : i32, i32
  }
  func.func @transform_3(%arg0: i32) -> (i32, i32) {
    %c0_i32 = arith.constant 0 : i32
    %c0_i32_0 = arith.constant 0 : i32
    %c0_i32_1 = arith.constant 0 : i32
    return %c0_i32, %c0_i32_0 : i32, i32
  }
  func.func @transform_4(%arg0: i32) -> (i32, i32) {
    %c0_i32 = arith.constant 0 : i32
    %c0_i32_0 = arith.constant 0 : i32
    %c0_i32_1 = arith.constant 0 : i32
    return %c0_i32, %c0_i32_0 : i32, i32
  }
  func.func @transform_5(%arg0: i32) -> (i32, i32) {
    %c0_i32 = arith.constant 0 : i32
    %c0_i32_0 = arith.constant 0 : i32
    %c0_i32_1 = arith.constant 0 : i32
    return %c0_i32, %c0_i32_0 : i32, i32
  }
  func.func @transform_6(%arg0: i32) -> (i32, i32) {
    %c0_i32 = arith.constant 0 : i32
    %c0_i32_0 = arith.constant 0 : i32
    %c0_i32_1 = arith.constant 0 : i32
    return %c0_i32, %c0_i32_0 : i32, i32
  }
}

</mosaic_0001>

<sc_bundles>
// kernel: kernel.10.cloned.1.call-start
scs
__scs_entry_jumppad:
0x0: {  	(pc) =	sbr.rel $0x88, $3  }
0x1: {  	(tag) =	ssettag $0x0;
	lr =	simm.s32 $0x1  }
0x2: {  	[smem:$0x3F97] =	sst lr;
	_ =	strace $0xD0000000  }
0x3: {  	_ = 	snop  }
0x4: {  	_ = 	snop  }
0x5: {  	_ = 	snop  }
0x6: {  	_ = 	snop  }
0x7: {  	_ = 	snop  }
__scs_overlays_trampoline_lowered:
0x8: {  	[smem:$0x3FA6] =	sst s0  }
0x9: {  	[smem:$0x3FA7] =	sst s1  }
0xa: {  	[smem:$0x3FA8] =	sst s2  }
0xb: {  	[smem:$0x3FA9] =	sst s3  }
0xc: {  	[smem:$0x3FAA] =	sst s4  }
0xd: {  	[smem:$0x3FAB] =	sst s5  }
0xe: {  	[smem:$0x3FAC] =	sst s6  }
0xf: {  	[smem:$0x3FAD] =	sst s7  }
0x10: {  	[smem:$0x3FAE] =	sst s8  }
0x11: {  	[smem:$0x3FAF] =	sst s9;
	s0 =	simm.s32 @!p0 $0x0  }
0x12: {  	s1 =	sld [smem:$0x3F95];
	s0 =	simm.s32 @p0 $0x1  }
0x13: {  	[smem:$0x3FB0] =	sst s0;
	s0 =	simm.s32 @!p1 $0x0  }
0x14: {  	s2 =	sld [smem:$0x3F94];
	s0 =	simm.s32 @p1 $0x1  }
0x15: {  	[smem:$0x3FB1] =	sst s0;
	s0 =	simm.s32 @!p2 $0x0  }
0x16: {  	s3 =	sld [smem:$0x3FDB];
	s0 =	simm.s32 @p2 $0x1  }
0x17: {  	s4 =	simm.s32 $0x1BF5;
	[smem:$0x3FB3] =	sst s0  }
0x18: {  	s0 =	sld [smem:$0x3F96];
	_ =	swait.ge [sflag:s4], $0x0  }
0x19: {  	s7 =	sld [smem:$0x3F97]  }
0x1a: {  	s8 =	sadd.s32 $0xFFFFE003, lr  }
0x1b: {  	s9 =	sadd.s32 $0xFFFFFEF7, lr;
	s5 =	simm.s32 $0xFFFFFFFF;
	p2 =	slt.u32 s8, $0xFFFFF086  }
0x1c: {  	p1 =	slt.u32 s9, $0xF7A;
	s5 =	simm.s32 @!p2 $0x0  }
0x1d: {  	s5 =	simm.s32 @p1 $0x1;
	p0 =	seq.s32 s7, s2  }
0x1e: {  	s7 =	smul.u32 @!p0 $0xF7A, s2;
	p2 =	seq.s32 @!p0 s5, $0x0  }
0x1f: {  	s9 =	smul.u32 $0xF7A, s1;
	s8 =	simm.s32 @!p0 $0x1BF5;
	p2 =	por !p2, p0  }
0x20: {  	[sflag:s8] =	ssyncset.s32 @!p0 $0xFFFFF086;
	s6 =	sadd.s32 @!p0 s3, s7;
	s7 =	simm.s32 @!p0 $0x108  }
0x21: {  	s3 =	sadd.s32 s3, s9;
	s6 =	sadd.s32 @!p0 $0x88, s6;
	s7 =	simm.s32 @p2 $0x1082  }
0x22: {  	[simem:s7], [sflag:s8] =	dma.local @!p0 [hbm:s6], $0xF7A  }
0x23: {  	s9 =	sor.u32 $0xD0000000, s2;
	s6 =	simm.s32 $0x108;
	_ =	swait.ge @!p0 [sflag:s8], $0x0  }
0x24: {  	s3 =	sadd.s32 $0x88, s3;
	s6 =	simm.s32 @!p1 $0x1082;
	[sflag:s4] =	ssyncset.s32 $0xFFFFF086  }
0x25: {  	[simem:s6], [sflag:s4] =	dma.local [hbm:s3], $0xF7A  }
0x26: {  	[smem:$0x3F97] =	sst s1;
	(tag) =	ssettag s2;
	_ =	strace s9  }
0x27: {  	s1 =	sld [smem:$0x3FA7]  }
0x28: {  	s2 =	sld [smem:$0x3FA8]  }
0x29: {  	s4 =	sld [smem:$0x3FAA]  }
0x2a: {  	p0 =	seq.s32 s5, $0x0;
	s5 =	sld [smem:$0x3FAB]  }
0x2b: {  	s6 =	sld [smem:$0x3FAC]  }
0x2c: {  	s7 =	sld [smem:$0x3FAD]  }
0x2d: {  	s3 =	simm.s32 $0x108;
	s8 =	sld [smem:$0x3FAE]  }
0x2e: {  	s3 =	simm.s32 @!p0 $0x1082;
	s9 =	sld [smem:$0x3FAF]  }
0x2f: {  	lr =	sadd.s32 s0, s3;
	s0 =	sld [smem:$0x3FA6]  }
0x30: {  	s3 =	sld [smem:$0x3FA9]  }
0x31: {  	[smem:$0x3FB2] =	sst s10  }
0x32: {  	s10 =	sld [smem:$0x3FB0];
	_ =	sdelay $0x3  }
0x33: {  	p0 =	seq.s32 s10, $0x1;
	s10 =	sld [smem:$0x3FB2];
	_ =	sdelay $0x3  }
0x34: {  	[smem:$0x3FB2] =	sst s10  }
0x35: {  	s10 =	sld [smem:$0x3FB1];
	_ =	sdelay $0x3  }
0x36: {  	p1 =	seq.s32 s10, $0x1;
	s10 =	sld [smem:$0x3FB2];
	_ =	sdelay $0x3  }
0x37: {  	[smem:$0x3FB2] =	sst s10  }
0x38: {  	s10 =	sld [smem:$0x3FB3]  }
0x39: {  	_ = 	snop;
	(pc) =	sbr.ind lr, $3  }
0x3a: {  	_ = 	snop  }
0x3b: {  	_ = 	snop  }
0x3c: {  	p2 =	seq.s32 s10, $0x1;
	s10 =	sld [smem:$0x3FB2]  }
0x3d: {  	_ =	shalt  }
0x3e: {  	_ =	shalt  }
0x3f: {  	_ =	shalt  }
0x40: {  	_ =	shalt  }
0x41: {  	_ =	shalt  }
0x42: {  	_ =	shalt  }
0x43: {  	_ =	shalt  }
0x44: {  	_ =	shalt  }
0x45: {  	_ =	shalt  }
0x46: {  	_ =	shalt  }
0x47: {  	_ =	shalt  }
0x48: {  	_ =	shalt  }
0x49: {  	_ =	shalt  }
0x4a: {  	_ =	shalt  }
0x4b: {  	_ =	shalt  }
0x4c: {  	_ =	shalt  }
0x4d: {  	_ =	shalt  }
0x4e: {  	_ =	shalt  }
0x4f: {  	_ =	shalt  }
0x50: {  	_ =	shalt  }
0x51: {  	_ =	shalt  }
0x52: {  	_ =	shalt  }
0x53: {  	_ =	shalt  }
0x54: {  	_ =	shalt  }
0x55: {  	_ =	shalt  }
0x56: {  	_ =	shalt  }
0x57: {  	_ =	shalt  }
0x58: {  	_ =	shalt  }
0x59: {  	_ =	shalt  }
0x5a: {  	_ =	shalt  }
0x5b: {  	_ =	shalt  }
0x5c: {  	_ =	shalt  }
0x5d: {  	_ =	shalt  }
0x5e: {  	_ =	shalt  }
0x5f: {  	_ =	shalt  }
0x60: {  	_ =	shalt  }
0x61: {  	_ =	shalt  }
0x62: {  	_ =	shalt  }
0x63: {  	_ =	shalt  }
0x64: {  	_ =	shalt  }
0x65: {  	_ =	shalt  }
0x66: {  	_ =	shalt  }
0x67: {  	_ =	shalt  }
0x68: {  	_ =	shalt  }
0x69: {  	_ =	shalt  }
0x6a: {  	_ =	shalt  }
0x6b: {  	_ =	shalt  }
0x6c: {  	_ =	shalt  }
0x6d: {  	_ =	shalt  }
0x6e: {  	_ =	shalt  }
0x6f: {  	_ =	shalt  }
0x70: {  	_ =	shalt  }
0x71: {  	_ =	shalt  }
0x72: {  	_ =	shalt  }
0x73: {  	_ =	shalt  }
0x74: {  	_ =	shalt  }
0x75: {  	_ =	shalt  }
0x76: {  	_ =	shalt  }
0x77: {  	_ =	shalt  }
0x78: {  	_ =	shalt  }
0x79: {  	_ =	shalt  }
0x7a: {  	_ =	shalt  }
0x7b: {  	_ =	shalt  }
0x7c: {  	_ =	shalt  }
0x7d: {  	_ =	shalt  }
0x7e: {  	_ =	shalt  }
0x7f: {  	_ =	shalt  }
0x80: {  	_ =	shalt  }
0x81: {  	_ =	shalt  }
0x82: {  	_ =	shalt  }
0x83: {  	_ =	shalt  }
0x84: {  	_ =	shalt  }
0x85: {  	_ =	shalt  }
0x86: {  	_ =	shalt  }
0x87: {  	_ =	shalt  }
.Lfunc_end0:
.L_simem_size_0:
called_computation.1_lowered:
.L_overlay_start_0:
0x88: {  	s2 =	sld [smem:$0x3FD9]  }
0x89: {  	s3 =	sld [smem:$0x3FFE];
	_ =	sdelay $0x1  }
0x8a: {  	s1 =	srdreg.scid  }
0x8b: {  	s0 =	sand.u32 $0x1, s1  }
0x8c: {  	s17 =	sshll.u32 s0, $0xA;
	s2 =	sadd.s32 s3, s2  }
0x8d: {  	s2 =	sadd.s32 s2, s17  }
0x8e: {  	[smem:$0x3FBE] =	sst s2  }
0x8f: {  	_ = 	snop  }
0x90: {  	s18 =	sld [smem:$0x3FC8];
	(tm) =	ssettm $0x1  }
0x91: {  	s19 =	sld [smem:$0x3FFB];
	_ =	sdelay $0x3  }
0x92: {  	_ =	strace s19  }
0x93: {  	s2 =	sld [smem:$0x3FFC];
	_ =	sdelay $0x3  }
0x94: {  	_ =	strace s2  }
0x95: {  	s2 =	sld [smem:$0x3FFD];
	_ =	sdelay $0x3  }
0x96: {  	_ =	strace s2  }
0x97: {  	_ =	strace $0x8FFFFFFF  }
0x98: {  	s20 =	sld [smem:$0x3FDB];
	_ =	sdelay $0x1  }
0x99: {  	s4 =	simm.s32 $_scs_section_size  }
0x9a: {  	s5 =	simm.s32 $_size__tile_overlayer_lowered;
	s6 =	simm.s32 $_tile_overlayer_lowered  }
0x9b: {  	s7 =	simm.s32 $0x1BFF;
	s21 =	sshll.u32 s6, $0x1;
	s4 =	sadd.s32 s4, s20  }
0x9c: {  	s22 =	simm.s32 $0x0;
	s5 =	sshll.u32 s5, $0x1;
	s6 =	sadd.s32 s21, s4  }
0x9d: {  	[timem:s22], [sflag:s7] =	dma.local [hbm:s6], s5  }
0x9e: {  	_ =	swait.ge [sflag:s7], s5  }
0x9f: {  	s5 =	ssub.s32 $0x0, s5;
	[sflag:s7] =	ssyncset.done $0x0  }
0xa0: {  	[sflag:s7] =	ssyncadd.s32 s5;
	_ =	sdelay $0x1  }
0xa1: {  	s23 =	simm.s32 $0x1B8B  }
0xa2: {  	_ =	swait.ge [sflag:s23], $0x1  }
0xa3: {  	[sflag:s23] =	ssyncset.done $0x0  }
0xa4: {  	[sflag:s23] =	ssyncadd.s32 $0xFFFFFFFF  }
0xa5: {  	s5 =	sld [smem:$0x0]  }
0xa6: {  	s6 =	sand.u32 $0xFFFFFFFE, s1  }
0xa7: {  	p0 =	sne.s32 s1, s6  }
0xa8: {  	s6 =	sshll.u32 @p0 s6, $0xE  }
0xa9: {  	s6 =	sadd.s32 @p0 $0x11B8D, s6;
	s7 =	sshll.u32 @p0 s5, $0x11  }
0xaa: {  	s6 =	sor.u32 @p0 s7, s6  }
0xab: {  	[sflag:s6] =	ssyncadd.remote.s32 @p0 $0x1;
	_ =	sdelay $0x1  }
0xac: {  	s6 =	simm.s32 @p0 $0x1B8D  }
0xad: {  	_ =	swait.eq @p0 [sflag:s6], $0x1  }
0xae: {  	[sflag:s6] =	ssyncadd.s32 @p0 $0xFFFFFFFF  }
0xaf: {  	s7 =	sshll.u32 @!p0 s1, $0xE  }
0xb0: {  	s7 =	sor.u32 @!p0 $0x4000, s7;
	s6 =	simm.s32 @!p0 $0x1B8D  }
0xb1: {  	s5 =	sshll.u32 @!p0 s5, $0x11;
	s7 =	sadd.s32 @!p0 $0x11B8D, s7;
	_ =	swait.eq @!p0 [sflag:s6], $0x1  }
0xb2: {  	s5 =	sor.u32 @!p0 s5, s7;
	[sflag:s6] =	ssyncadd.s32 @!p0 $0xFFFFFFFF  }
0xb3: {  	s25 =	simm.s32 $0x1B8E;
	s24 =	sld [smem:$0x3FFE];
	[sflag:s5] =	ssyncadd.remote.s32 @!p0 $0x1  }
0xb4: {  	s26 =	simm.s32 $execute0_lowered;
	[smem:$0x3FD2] =	sst s25  }
0xb5: {  	s6 =	sshll.u32 s26, $0x1;
	_ =	strace $0x80000049;
	[dreg:$0x1] =	wrdreg $0xFFFFFFFF  }
0xb6: {  	s28 =	simm.s32 $_size_execute0_lowered;
	s4 =	sadd.s32 s4, s6;
	[dreg:$0x0] =	wrdreg $0x0  }
0xb7: {  	s6 =	sshll.u32 s28, $0x1;
	[dreg:$0x2] =	wrdreg s4  }
0xb8: {  	[dreg:$0x3] =	wrdreg s6  }
0xb9: {  	[dreg:$0x4] =	wrdreg $0xC0  }
0xba: {  	_ =	task [dreg:s22], $0x5FFFF  }
0xbb: {  	[dreg:$0x1] =	wrdreg $0xFFFFFFFF  }
0xbc: {  	[dreg:$0x0] =	wrdreg $0x60  }
0xbd: {  	[dreg:$0x2] =	wrdreg s24  }
0xbe: {  	[dreg:$0x3] =	wrdreg s18  }
0xbf: {  	[dreg:$0x4] =	wrdreg $0xA  }
0xc0: {  	_ =	task.clear_ibuf [dreg:s22], $0x5FFFF;
	_ =	strace $0x90000049  }
0xc1: {  	s29 =	simm.s32 $0xA;
	_ =	strace $0x8000004B  }
0xc2: {  	_ =	swait.ge [sflag:s29], $0x1  }
0xc3: {  	[sflag:s29] =	ssyncadd.s32 $0xFFFFFFFF  }
0xc4: {  	_ =	strace $0x9000004B  }
0xc5: {  	_ =	sfence  }
0xc6: {  	s30 =	sld [smem:$0x0];
	_ =	sdelay $0x2  }
0xc7: {  	s31 =	sshll.u32 s1, $0xD;
	s1 =	sshrl.u32 s1, $0x2  }
0xc8: {  	s4 =	sand.u32 $0x4000, s31;
	s1 =	sadd.s32 s1, s30  }
0xc9: {  	s0 =	sor.u32 s4, s0;
	s1 =	sshll.u32 s1, $0x11  }
0xca: {  	s0 =	sor.u32 s1, s0  }
0xcb: {  	s0 =	sadd.s32 $0x8F2B, s0  }
0xcc: {  	[sflag:s0] =	ssyncadd.remote.s32 $0x1  }
0xcd: {  	_ =	sfence.sel $0xFFFF  }
0xce: {  	[dreg:$0x0] =	wrdreg $0xFFFFFFFF;
	(pc) =	sbr.abs _section_cstart, $3  }
0xcf: {  	[dreg:$0x1] =	wrdreg $0xFFFFFFFF  }
0xd0: {  	_ =	task.clear_ibuf [dreg:s22], $0x2FFFF;
	_ =	strace $0x9FFFFFFF  }
0xd1: {  	(tm) =	ssettm $0x7FFFFFFF  }
tec
execute0_lowered:
.L_overlay_start_1:
0x0: {  	(tag) =	ssettag $0x1  }
0x1: {  	v0 =	vimm.s32 $0xFFFFFFFF;
	v1 =	vimm.f32 $0.0e+00  }
0x2: {  	v2 =	vimm.f32 $1.600000000e+01;
	vm0 =	vcmask $0x300;
	v3 =	vimm.f32 $-1.500000000e+01  }
0x3: {  	vm1 =	vcmask $0x704;
	v2 =	vsel vm0, $0x3F800000, v2;
	v3 =	vsel vm0, $0x0, v3  }
0x4: {  	vm0 =	vcmask $0xB08;
	v2 =	vsel vm1, $0x40000000, v2;
	v3 =	vsel vm1, $0xBF800000, v3  }
0x5: {  	vm1 =	vcmask $0xF0C;
	v2 =	vsel vm0, $0x40400000, v2;
	v3 =	vsel vm0, $0xC0000000, v3  }
0x6: {  	vm0 =	vcmask $0x1310;
	v2 =	vsel vm1, $0x40800000, v2;
	v3 =	vsel vm1, $0xC0400000, v3  }
0x7: {  	s1 =	srdreg.scid;
	s4 =	rddreg [dreg:$0x0];
	vm1 =	vcmask $0x1714;
	v2 =	vsel vm0, $0x40A00000, v2;
	v3 =	vsel vm0, $0xC0800000, v3  }
0x8: {  	s0 =	stileid.u32;
	s6 =	rddreg [dreg:$0x1];
	vm0 =	vcmask $0x1B18;
	v2 =	vsel vm1, $0x40C00000, v2;
	v3 =	vsel vm1, $0xC0A00000, v3  }
0x9: {  	s2 =	simm.s32 $0x0;
	s3 =	sand.u32 $0x1, s1;
	s28 =	sshll.u32 s0, $0x1;
	vm1 =	vcmask $0x1F1C;
	v2 =	vsel vm0, $0x40E00000, v2;
	v3 =	vsel vm0, $0xC0C00000, v3  }
0xa: {  	s10 =	simm.s32 $0x1300;
	s11 =	simm.s32 $0x2600;
	s5 =	sor.u32 s3, s28;
	vm0 =	vcmask $0x2320;
	v2 =	vsel vm1, $0x41000000, v2;
	v3 =	vsel vm1, $0xC0E00000, v3  }
0xb: {  	s12 =	simm.s32 $0x3900;
	s13 =	simm.s32 $0x0;
	s7 =	smul.u32 $0x12C0, s5;
	vm1 =	vcmask $0x2724;
	v2 =	vsel vm0, $0x41100000, v2;
	v3 =	vsel vm0, $0xC1000000, v3  }
0xc: {  	[smem:$0x7FF] =	sst s2;
	s3 =	ssub.s32 $0x2, s3;
	s5 =	smul.u32 $0x1400, s5;
	vm0 =	vcmask $0x2B28;
	v2 =	vsel vm1, $0x41200000, v2;
	v3 =	vsel vm1, $0xC1100000, v3  }
0xd: {  	s1 =	rddreg [dreg:$0x2];
	_ =	strace $0x8000004A;
	s29 =	sshrl.u32 s3, $0x1;
	vm1 =	vcmask $0x2F2C;
	v2 =	vsel vm0, $0x41300000, v2;
	v3 =	vsel vm0, $0xC1200000, v3  }
0xe: {  	s31 =	ssub.s32 s3, s29;
	s7 =	sshrl.u32 s7, $0x3;
	s9 =	sadd.s32 s5, s4;
	vm0 =	vcmask $0x3330;
	v2 =	vsel vm1, $0x41400000, v2;
	v3 =	vsel vm1, $0xC1300000, v3  }
0xf: {  	s8 =	sadd.s32 s7, s4;
	s30 =	sadd.s32 s6, s7;
	s6 =	sadd.s32 $0x3D000, s9;
	vm1 =	vcmask $0x3734;
	v2 =	vsel vm0, $0x41500000, v2;
	v3 =	vsel vm0, $0xC1400000, v3  }
0x10: {  	vm2 =	vcmask $0x3B38;
	s7 =	smax.u32 s31, $0x1;
	s9 =	simm.s32 $0x1;
	s3 =	sadd.s32 $0x5140, s30;
	v2 =	vsel vm1, $0x41600000, v2;
	v3 =	vsel vm1, $0xC1500000, v3  }
0x11: {  	s4 =	sadd.s32 $0x33800, s8;
	s5 =	sadd.s32 $0x38400, s8;
	s8 =	simm.s32 $0x10;
	vm0 =	vcmask $0x3F3C;
	v2 =	vsel vm2, $0x41700000, v2;
	v3 =	vsel vm2, $0xC1600000, v3  }
.LBB2_1:
0x12: {  	[tilespmem:s8], [sflag:$0x1] =	stream.linear.gather [hbm4b:s3+s2], $0x12C0, $0x38;
	[tilespmem:$0xD900] =	vst v63  }
0x13: {  	_ =	swait.ge [sflag:s9], $0x12C0  }
0x14: {  	[sflag:s9] =	ssyncset.done $0x0  }
0x15: {  	[sflag:s9] =	ssyncadd.s32 $0xFFFFED40  }
0x16: {  	[tilespmem:s10], [sflag:$0x1] =	stream.linear.gather [hbm4b:s4+s2], $0x12C0, $0x38;
	[tilespmem:$0xD900] =	vst v63  }
0x17: {  	_ =	swait.ge [sflag:s9], $0x12C0  }
0x18: {  	[sflag:s9] =	ssyncset.done $0x0  }
0x19: {  	[sflag:s9] =	ssyncadd.s32 $0xFFFFED40  }
0x1a: {  	[tilespmem:s11], [sflag:$0x1] =	stream.linear.gather [hbm4b:s5+s2], $0x12C0, $0x38;
	[tilespmem:$0xD900] =	vst v63  }
0x1b: {  	_ =	swait.ge [sflag:s9], $0x12C0  }
0x1c: {  	[sflag:s9] =	ssyncset.done $0x0  }
0x1d: {  	[sflag:s9] =	ssyncadd.s32 $0xFFFFED40  }
0x1e: {  	s14 =	simm.s32 $0x0;
	s15 =	simm.s32 $0x0;
	[tilespmem:$0x12D0] =	vst v0  }
.LBB2_2:
0x1f: {  	p0 =	sne.s32 s15, $0x27F0  }
.Ltmp0:
0x20: {  	s16 =	sand.u32 $0x70, s15;
	s17 =	sand.u32 $0xFE00, s14;
	(pc) =	sbr.rel @p0 .LBB2_2-.Ltmp0, $4  }
0x21: {  	s16 =	sor.u32 s16, s17  }
0x22: {  	[tilespmem:s16+$0x3900] =	vst v1  }
0x23: {  	[tilespmem:s16+$0x3980] =	vst v1  }
0x24: {  	s14 =	sadd.s32 $0x40, s14;
	s15 =	sadd.s32 $0x10, s15;
	[tilespmem:s16+$0x3A00] =	vst v1  }
0x25: {  	s15 =	simm.s32 $0x1310  }
0x26: {  	v4 =	vld [tilespmem:s15+$0xFFFFFFF0];
	_ =	sdelay $0x2  }
0x27: {  	v8 =	vld [tilespmem:s15+$0x0]  }
0x28: {  	s16 =	simm.s32 $0x2610  }
0x29: {  	s14 =	simm.s32 $0x11;
	v5 =	vld [tilespmem:s16+$0x0];
	(xrf2) =	vadd.scan.msk.f32 $0xffff, v4  }
0x2a: {  	v6 =	vld [tilespmem:s14+$0x10]  }
0x2b: {  	v11 =	vld [tilespmem:s14+$0xF]  }
0x2c: {  	v9 =	vld [tilespmem:s14+$0xFFFFFFFF];
	(xrf2) =	vadd.scan.msk.f32 $0xffff, v8  }
0x2d: {  	v10 =	vld [tilespmem:s14+$0x0];
	_ =	sdelay $0x2  }
0x2e: {  	v7 =	vshll.u32 v11, $0x2;
	v12 =	vand.u32 $0x7F, v11  }
0x2f: {  	v14 =	vshll.u32 v9, $0x2;
	v13 =	vand.u32 $0xFFFFFE00, v7;
	v7 =	vld [tilespmem:s16+$0xFFFFFFF0];
	(xrf2) =	vadd.scan.msk.f32 $0xffff, v5  }
0x30: {  	vm2 =	vne.s32 v11, v6;
	vm1 =	vne.s32 v9, v10;
	v10 =	vand.u32 $0xFFFFFE00, v14;
	v14 =	vld [tilespmem:s14+$0xE]  }
0x31: {  	s17 =	simm.s32 $0x1330;
	s15 =	simm.s32 $0x0;
	vm2 =	vmor vm2, vm0;
	s16 =	simm.s32 $0x2630;
	v6 =	vor.u32 v12, v13;
	v13 =	vld [tilespmem:s14+$0xFFFFFFFE];
	v12, _, _ =	vpop (xrf2)  }
.LBB2_4:
0x32: {  	v15 =	vld [tilespmem:s16+$0x0];
	s15 =	sadd.s32 $0x2, s15;
	s14 =	sadd.s32 $0x20, s14  }
0x33: {  	v16 =	vld [tilespmem:s14+$0x10];
	p0 =	slt.u32 s15, $0x12A  }
0x34: {  	v17 =	vld [tilespmem:s14+$0xF];
	(xrf2) =	vadd.scan.msk.f32 $0xffff, v7;
	v18, _, _ =	vpop (xrf2)  }
0x35: {  	v20 =	vor.u32 $0x80, v6;
	v19 =	vld [tilespmem:s14+$0xFFFFFFFF];
	v21 =	vsub.f32 v8, v18  }
0x36: {  	v22 =	vld [tilespmem:s14+$0x0];
	vm5 =	vne.s32 v11, v14;
	v14 =	vor.u32 $0x100, v6  }
0x37: {  	[tilespmem:v6+s12+$0x0] =	vst.idx.add.f32.msk vm2, v18  }
0x38: {  	vm6 =	vmor vm1, vm0;
	v23 =	vand.u32 $0x7F, v9;
	vm4 =	vne.s32 v9, v13;
	v18 =	vld [tilespmem:s17+$0xFFFFFFF0]  }
0x39: {  	v13 =	vor.u32 v23, v10;
	vm3 =	vne.s32 v17, v16;
	v8 =	vld [tilespmem:s17+$0x0];
	v26 =	vshll.u32 v17, $0x2;
	v9, _, _ =	vpop (xrf2)  }
0x3a: {  	v10 =	vand.u32 $0x7F, v17;
	v24 =	vand.u32 $0xFFFFFE00, v26;
	[tilespmem:v20+s12+$0x0] =	vst.idx.add.f32.msk vm2, v9;
	v16 =	vsub.f32 v5, v9;
	v5 =	vmovc v15  }
0x3b: {  	v23 =	vor.u32 $0x80, v13;
	v11 =	vmovc v17;
	v25 =	vshll.u32 v19, $0x2;
	v15 =	vor.u32 v10, v24;
	[tilespmem:v14+s12+$0x0] =	vst.idx.add.f32.msk vm2, v2  }
0x3c: {  	v17 =	vor.u32 $0x100, v13;
	v9 =	vmovc v19;
	vm1 =	vne.s32 v19, v22;
	v10 =	vand.u32 $0xFFFFFE00, v25;
	[tilespmem:v6+s12+$0x0] =	vst.idx.add.f32.msk vm5, v21  }
0x3d: {  	v6 =	vmov v15;
	(xrf2) =	vadd.scan.msk.f32 $0xffff, v18;
	[tilespmem:v20+s12+$0x0] =	vst.idx.add.f32.msk vm5, v16  }
0x3e: {  	[tilespmem:v13+s12+$0x0] =	vst.idx.add.f32.msk vm6, v12;
	v15, _, _ =	vpop (xrf2)  }
0x3f: {  	v12 =	vsub.f32 v4, v12;
	v4 =	vmov v18;
	v7 =	vsub.f32 v7, v15;
	[tilespmem:v14+s12+$0x0] =	vst.idx.add.f32.msk vm5, v3  }
0x40: {  	(xrf2) =	vadd.scan.msk.f32 $0xffff, v8;
	[tilespmem:v23+s12+$0x0] =	vst.idx.add.f32.msk vm6, v15  }
0x41: {  	[tilespmem:v17+s12+$0x0] =	vst.idx.add.f32.msk vm6, v2  }
0x42: {  	[tilespmem:v13+s12+$0x0] =	vst.idx.add.f32.msk vm4, v12  }
.Ltmp1:
0x43: {  	[tilespmem:v23+s12+$0x0] =	vst.idx.add.f32.msk vm4, v7;
	(pc) =	sbr.rel @p0 .LBB2_4-.Ltmp1, $4  }
0x44: {  	[tilespmem:v17+s12+$0x0] =	vst.idx.add.f32.msk vm4, v3  }
0x45: {  	v7 =	vld [tilespmem:s16+$0xFFFFFFF0];
	(xrf2) =	vadd.scan.msk.f32 $0xffff, v5  }
0x46: {  	v13 =	vld [tilespmem:s14+$0xFFFFFFFE]  }
0x47: {  	s17 =	sadd.s32 $0x20, s17;
	vm2 =	vmor vm3, vm0;
	s16 =	sadd.s32 $0x20, s16;
	v14 =	vld [tilespmem:s14+$0xE];
	v12, _, _ =	vpop (xrf2)  }
0x48: {  	_ = 	snop  }
0x49: {  	vm1 =	vmor vm1, vm0;
	v16 =	vand.u32 $0x7F, v9  }
0x4a: {  	v10 =	vor.u32 v16, v10;
	(xrf2) =	vadd.scan.msk.f32 $0xffff, v7  }
0x4b: {  	v15 =	vor.u32 $0x80, v6  }
0x4c: {  	v59 =	vor.u32 $0x100, v6;
	vm3 =	vne.s32 v11, v14  }
0x4d: {  	v60, _, _ =	vpop (xrf2)  }
0x4e: {  	[tilespmem:v6+s12+$0x0] =	vst.idx.add.f32.msk vm2, v60  }
0x4f: {  	[tilespmem:v10+s12+$0x0] =	vst.idx.add.f32.msk vm1, v12;
	v61, _, _ =	vpop (xrf2)  }
0x50: {  	v62 =	vor.u32 $0x80, v10;
	v8 =	vsub.f32 v8, v60;
	[tilespmem:v15+s12+$0x0] =	vst.idx.add.f32.msk vm2, v61;
	v5 =	vsub.f32 v5, v61  }
0x51: {  	v63 =	vor.u32 $0x100, v10;
	[tilespmem:v59+s12+$0x0] =	vst.idx.add.f32.msk vm2, v2;
	vm2 =	vne.s32 v9, v13  }
0x52: {  	[tilespmem:v6+s12+$0x0] =	vst.idx.add.f32.msk vm3, v8  }
0x53: {  	[tilespmem:v15+s12+$0x0] =	vst.idx.add.f32.msk vm3, v5  }
0x54: {  	v5, _, _ =	vpop (xrf2);
	[tilespmem:v59+s12+$0x0] =	vst.idx.add.f32.msk vm3, v3  }
0x55: {  	v4 =	vsub.f32 v4, v12;
	[tilespmem:v62+s12+$0x0] =	vst.idx.add.f32.msk vm1, v5  }
0x56: {  	v5 =	vsub.f32 v7, v5;
	[tilespmem:v63+s12+$0x0] =	vst.idx.add.f32.msk vm1, v2  }
0x57: {  	s13 =	sadd.s32 $0x1, s13;
	[tilespmem:v10+s12+$0x0] =	vst.idx.add.f32.msk vm2, v4  }
0x58: {  	p0 =	sne.s32 s13, s7;
	[tilespmem:v62+s12+$0x0] =	vst.idx.add.f32.msk vm2, v5  }
.Ltmp2:
0x59: {  	[tilespmem:v63+s12+$0x0] =	vst.idx.add.f32.msk vm2, v3;
	(pc) =	sbr.rel @p0 .LBB2_1-.Ltmp2, $4  }
0x5a: {  	[hbm4b:s6+s2] =	stream.linear.scatter [tilespmem:s12], [sflag:$0x1], $0xA000, $0x38;
	[tilespmem:$0xD900] =	vst v63  }
0x5b: {  	_ =	swait.ge [sflag:s9], $0xA000  }
0x5c: {  	[sflag:s9] =	ssyncset.done $0x0  }
0x5d: {  	[sflag:s9] =	ssyncadd.s32 $0xFFFF6000  }
0x5e: {  	_ =	sfence.sel $0x180000  }
0x5f: {  	[bflag:$0x0] =	sbarrier.arrive $0xFFFF  }
0x60: {  	p0 =	sne.s32 s0, $0x0;
	_ =	strace $0x9000004A  }
0x61: {  	s0 =	sadd.s32 @!p0 $0x100000, s1;
	[bflag:$0x2] =	sbarrier.arrive $0xFFFF  }
0x62: {  	[sflag:s0] =	ssyncadd.tile.s32 @!p0 $0x1;
	_ =	shalt  }
.Lfunc_end2:
_tile_overlayer_lowered:
.L_overlay_start_2:
0x63: {  	(tag) =	ssettag $0x2  }
0x64: {  	s0 =	rddreg [dreg:$0x0];
	s2 =	stileid.u32  }
0x65: {  	s1 =	rddreg [dreg:$0x1];
	p0 =	sne.s32 s2, $0x0  }
0x66: {  	s3 =	rddreg [dreg:$0x2];
	[bflag:$0x3] =	sbarrier.arrive $0xFFFF;
	s2 =	simm.s32 @!p0 $0x1C01  }
0x67: {  	[timem:s3], [sflag:s2] =	dma.local @!p0 [hbm:s0], s1  }
0x68: {  	s0 =	simm.s32 @!p0 $0x1  }
0x69: {  	_ =	swait.ge @!p0 [sflag:s0], s1  }
0x6a: {  	s1 =	ssub.s32 @!p0 $0x0, s1;
	[sflag:s0] =	ssyncset.done @!p0 $0x0  }
0x6b: {  	[sflag:s0] =	ssyncadd.s32 @!p0 s1  }
0x6c: {  	[bflag:$0x3] =	sbarrier.arrive $0xFFFF  }
0x6d: {  	_ =	shalt  }

// kernel: kernel.7.cloned.1.call-start
scs
__scs_entry_jumppad:
0x0: {  	(pc) =	sbr.rel $0x88, $3  }
0x1: {  	(tag) =	ssettag $0x0;
	lr =	simm.s32 $0x1  }
0x2: {  	[smem:$0x3F97] =	sst lr;
	_ =	strace $0xD0000000  }
0x3: {  	_ = 	snop  }
0x4: {  	_ = 	snop  }
0x5: {  	_ = 	snop  }
0x6: {  	_ = 	snop  }
0x7: {  	_ = 	snop  }
__scs_overlays_trampoline_lowered:
0x8: {  	[smem:$0x3FA6] =	sst s0  }
0x9: {  	[smem:$0x3FA7] =	sst s1  }
0xa: {  	[smem:$0x3FA8] =	sst s2  }
0xb: {  	[smem:$0x3FA9] =	sst s3  }
0xc: {  	[smem:$0x3FAA] =	sst s4  }
0xd: {  	[smem:$0x3FAB] =	sst s5  }
0xe: {  	[smem:$0x3FAC] =	sst s6  }
0xf: {  	[smem:$0x3FAD] =	sst s7  }
0x10: {  	[smem:$0x3FAE] =	sst s8  }
0x11: {  	[smem:$0x3FAF] =	sst s9;
	s0 =	simm.s32 @!p0 $0x0  }
0x12: {  	s1 =	sld [smem:$0x3F95];
	s0 =	simm.s32 @p0 $0x1  }
0x13: {  	[smem:$0x3FB0] =	sst s0;
	s0 =	simm.s32 @!p1 $0x0  }
0x14: {  	s2 =	sld [smem:$0x3F94];
	s0 =	simm.s32 @p1 $0x1  }
0x15: {  	[smem:$0x3FB1] =	sst s0;
	s0 =	simm.s32 @!p2 $0x0  }
0x16: {  	s3 =	sld [smem:$0x3FDB];
	s0 =	simm.s32 @p2 $0x1  }
0x17: {  	s4 =	simm.s32 $0x1BF5;
	[smem:$0x3FB3] =	sst s0  }
0x18: {  	s0 =	sld [smem:$0x3F96];
	_ =	swait.ge [sflag:s4], $0x0  }
0x19: {  	s7 =	sld [smem:$0x3F97]  }
0x1a: {  	s8 =	sadd.s32 $0xFFFFE003, lr  }
0x1b: {  	s9 =	sadd.s32 $0xFFFFFEF7, lr;
	s5 =	simm.s32 $0xFFFFFFFF;
	p2 =	slt.u32 s8, $0xFFFFF086  }
0x1c: {  	p1 =	slt.u32 s9, $0xF7A;
	s5 =	simm.s32 @!p2 $0x0  }
0x1d: {  	s5 =	simm.s32 @p1 $0x1;
	p0 =	seq.s32 s7, s2  }
0x1e: {  	s7 =	smul.u32 @!p0 $0xF7A, s2;
	p2 =	seq.s32 @!p0 s5, $0x0  }
0x1f: {  	s9 =	smul.u32 $0xF7A, s1;
	s8 =	simm.s32 @!p0 $0x1BF5;
	p2 =	por !p2, p0  }
0x20: {  	[sflag:s8] =	ssyncset.s32 @!p0 $0xFFFFF086;
	s6 =	sadd.s32 @!p0 s3, s7;
	s7 =	simm.s32 @!p0 $0x108  }
0x21: {  	s3 =	sadd.s32 s3, s9;
	s6 =	sadd.s32 @!p0 $0x88, s6;
	s7 =	simm.s32 @p2 $0x1082  }
0x22: {  	[simem:s7], [sflag:s8] =	dma.local @!p0 [hbm:s6], $0xF7A  }
0x23: {  	s9 =	sor.u32 $0xD0000000, s2;
	s6 =	simm.s32 $0x108;
	_ =	swait.ge @!p0 [sflag:s8], $0x0  }
0x24: {  	s3 =	sadd.s32 $0x88, s3;
	s6 =	simm.s32 @!p1 $0x1082;
	[sflag:s4] =	ssyncset.s32 $0xFFFFF086  }
0x25: {  	[simem:s6], [sflag:s4] =	dma.local [hbm:s3], $0xF7A  }
0x26: {  	[smem:$0x3F97] =	sst s1;
	(tag) =	ssettag s2;
	_ =	strace s9  }
0x27: {  	s1 =	sld [smem:$0x3FA7]  }
0x28: {  	s2 =	sld [smem:$0x3FA8]  }
0x29: {  	s4 =	sld [smem:$0x3FAA]  }
0x2a: {  	p0 =	seq.s32 s5, $0x0;
	s5 =	sld [smem:$0x3FAB]  }
0x2b: {  	s6 =	sld [smem:$0x3FAC]  }
0x2c: {  	s7 =	sld [smem:$0x3FAD]  }
0x2d: {  	s3 =	simm.s32 $0x108;
	s8 =	sld [smem:$0x3FAE]  }
0x2e: {  	s3 =	simm.s32 @!p0 $0x1082;
	s9 =	sld [smem:$0x3FAF]  }
0x2f: {  	lr =	sadd.s32 s0, s3;
	s0 =	sld [smem:$0x3FA6]  }
0x30: {  	s3 =	sld [smem:$0x3FA9]  }
0x31: {  	[smem:$0x3FB2] =	sst s10  }
0x32: {  	s10 =	sld [smem:$0x3FB0];
	_ =	sdelay $0x3  }
0x33: {  	p0 =	seq.s32 s10, $0x1;
	s10 =	sld [smem:$0x3FB2];
	_ =	sdelay $0x3  }
0x34: {  	[smem:$0x3FB2] =	sst s10  }
0x35: {  	s10 =	sld [smem:$0x3FB1];
	_ =	sdelay $0x3  }
0x36: {  	p1 =	seq.s32 s10, $0x1;
	s10 =	sld [smem:$0x3FB2];
	_ =	sdelay $0x3  }
0x37: {  	[smem:$0x3FB2] =	sst s10  }
0x38: {  	s10 =	sld [smem:$0x3FB3]  }
0x39: {  	_ = 	snop;
	(pc) =	sbr.ind lr, $3  }
0x3a: {  	_ = 	snop  }
0x3b: {  	_ = 	snop  }
0x3c: {  	p2 =	seq.s32 s10, $0x1;
	s10 =	sld [smem:$0x3FB2]  }
0x3d: {  	_ =	shalt  }
0x3e: {  	_ =	shalt  }
0x3f: {  	_ =	shalt  }
0x40: {  	_ =	shalt  }
0x41: {  	_ =	shalt  }
0x42: {  	_ =	shalt  }
0x43: {  	_ =	shalt  }
0x44: {  	_ =	shalt  }
0x45: {  	_ =	shalt  }
0x46: {  	_ =	shalt  }
0x47: {  	_ =	shalt  }
0x48: {  	_ =	shalt  }
0x49: {  	_ =	shalt  }
0x4a: {  	_ =	shalt  }
0x4b: {  	_ =	shalt  }
0x4c: {  	_ =	shalt  }
0x4d: {  	_ =	shalt  }
0x4e: {  	_ =	shalt  }
0x4f: {  	_ =	shalt  }
0x50: {  	_ =	shalt  }
0x51: {  	_ =	shalt  }
0x52: {  	_ =	shalt  }
0x53: {  	_ =	shalt  }
0x54: {  	_ =	shalt  }
0x55: {  	_ =	shalt  }
0x56: {  	_ =	shalt  }
0x57: {  	_ =	shalt  }
0x58: {  	_ =	shalt  }
0x59: {  	_ =	shalt  }
0x5a: {  	_ =	shalt  }
0x5b: {  	_ =	shalt  }
0x5c: {  	_ =	shalt  }
0x5d: {  	_ =	shalt  }
0x5e: {  	_ =	shalt  }
0x5f: {  	_ =	shalt  }
0x60: {  	_ =	shalt  }
0x61: {  	_ =	shalt  }
0x62: {  	_ =	shalt  }
0x63: {  	_ =	shalt  }
0x64: {  	_ =	shalt  }
0x65: {  	_ =	shalt  }
0x66: {  	_ =	shalt  }
0x67: {  	_ =	shalt  }
0x68: {  	_ =	shalt  }
0x69: {  	_ =	shalt  }
0x6a: {  	_ =	shalt  }
0x6b: {  	_ =	shalt  }
0x6c: {  	_ =	shalt  }
0x6d: {  	_ =	shalt  }
0x6e: {  	_ =	shalt  }
0x6f: {  	_ =	shalt  }
0x70: {  	_ =	shalt  }
0x71: {  	_ =	shalt  }
0x72: {  	_ =	shalt  }
0x73: {  	_ =	shalt  }
0x74: {  	_ =	shalt  }
0x75: {  	_ =	shalt  }
0x76: {  	_ =	shalt  }
0x77: {  	_ =	shalt  }
0x78: {  	_ =	shalt  }
0x79: {  	_ =	shalt  }
0x7a: {  	_ =	shalt  }
0x7b: {  	_ =	shalt  }
0x7c: {  	_ =	shalt  }
0x7d: {  	_ =	shalt  }
0x7e: {  	_ =	shalt  }
0x7f: {  	_ =	shalt  }
0x80: {  	_ =	shalt  }
0x81: {  	_ =	shalt  }
0x82: {  	_ =	shalt  }
0x83: {  	_ =	shalt  }
0x84: {  	_ =	shalt  }
0x85: {  	_ =	shalt  }
0x86: {  	_ =	shalt  }
0x87: {  	_ =	shalt  }
.Lfunc_end0:
.L_simem_size_0:
called_computation_lowered:
.L_overlay_start_0:
0x88: {  	s2 =	sld [smem:$0x3FD9]  }
0x89: {  	s3 =	sld [smem:$0x3FFE];
	_ =	sdelay $0x1  }
0x8a: {  	s1 =	srdreg.scid  }
0x8b: {  	s0 =	sand.u32 $0x1, s1  }
0x8c: {  	s17 =	sshll.u32 s0, $0xA;
	s2 =	sadd.s32 s3, s2  }
0x8d: {  	s2 =	sadd.s32 s2, s17  }
0x8e: {  	[smem:$0x3FBE] =	sst s2  }
0x8f: {  	_ = 	snop  }
0x90: {  	s2 =	sld [smem:$0x3FC8];
	(tm) =	ssettm $0x1  }
0x91: {  	s18 =	sld [smem:$0x3FFB];
	_ =	sdelay $0x3  }
0x92: {  	_ =	strace s18  }
0x93: {  	s3 =	sld [smem:$0x3FFC];
	_ =	sdelay $0x3  }
0x94: {  	_ =	strace s3  }
0x95: {  	s3 =	sld [smem:$0x3FFD];
	_ =	sdelay $0x3  }
0x96: {  	_ =	strace s3  }
0x97: {  	_ =	strace $0x8FFFFFFF  }
0x98: {  	s19 =	sld [smem:$0x3FDB];
	_ =	sdelay $0x1  }
0x99: {  	s4 =	simm.s32 $_scs_section_size  }
0x9a: {  	s5 =	simm.s32 $_size__tile_overlayer_lowered;
	s6 =	simm.s32 $_tile_overlayer_lowered  }
0x9b: {  	s22 =	simm.s32 $0x1BFF;
	s21 =	sshll.u32 s6, $0x1;
	s3 =	sadd.s32 s4, s19  }
0x9c: {  	s7 =	simm.s32 $0x0;
	s20 =	sshll.u32 s5, $0x1;
	s5 =	sadd.s32 s21, s3  }
0x9d: {  	[timem:s7], [sflag:s22] =	dma.local [hbm:s5], s20  }
0x9e: {  	_ =	swait.ge [sflag:s22], s20  }
0x9f: {  	s4 =	ssub.s32 $0x0, s20;
	[sflag:s22] =	ssyncset.done $0x0  }
0xa0: {  	[sflag:s22] =	ssyncadd.s32 s4;
	_ =	sdelay $0x1  }
0xa1: {  	s23 =	simm.s32 $0x1B8B  }
0xa2: {  	_ =	swait.ge [sflag:s23], $0x1  }
0xa3: {  	[sflag:s23] =	ssyncset.done $0x0  }
0xa4: {  	s25 =	simm.s32 $0x1B8E;
	s24 =	sld [smem:$0x3FFE];
	[sflag:s23] =	ssyncadd.s32 $0xFFFFFFFF  }
0xa5: {  	s26 =	simm.s32 $execute0_lowered;
	[smem:$0x3FD2] =	sst s25  }
0xa6: {  	s5 =	sshll.u32 s26, $0x1;
	_ =	strace $0x80000046;
	[dreg:$0x1] =	wrdreg $0xFFFFFFFF  }
0xa7: {  	s28 =	simm.s32 $_size_execute0_lowered;
	s3 =	sadd.s32 s3, s5;
	[dreg:$0x0] =	wrdreg $0x0  }
0xa8: {  	s5 =	sshll.u32 s28, $0x1;
	[dreg:$0x2] =	wrdreg s3  }
0xa9: {  	[dreg:$0x3] =	wrdreg s5  }
0xaa: {  	[dreg:$0x4] =	wrdreg $0xC0  }
0xab: {  	_ =	task [dreg:s7], $0x5FFFF  }
0xac: {  	[dreg:$0x1] =	wrdreg $0xFFFFFFFF  }
0xad: {  	[dreg:$0x0] =	wrdreg $0x60  }
0xae: {  	[dreg:$0x2] =	wrdreg s24  }
0xaf: {  	[dreg:$0x3] =	wrdreg s2  }
0xb0: {  	[dreg:$0x4] =	wrdreg $0x9  }
0xb1: {  	_ =	task.clear_ibuf [dreg:s7], $0x5FFFF;
	_ =	strace $0x90000046  }
0xb2: {  	s29 =	simm.s32 $0x9;
	_ =	strace $0x80000048  }
0xb3: {  	_ =	swait.ge [sflag:s29], $0x1  }
0xb4: {  	[sflag:s29] =	ssyncadd.s32 $0xFFFFFFFF  }
0xb5: {  	_ =	strace $0x90000048  }
0xb6: {  	_ =	sfence  }
0xb7: {  	s30 =	sld [smem:$0x0];
	_ =	sdelay $0x2  }
0xb8: {  	s31 =	sshll.u32 s1, $0xD;
	s1 =	sshrl.u32 s1, $0x2  }
0xb9: {  	s3 =	sand.u32 $0x4000, s31;
	s1 =	sadd.s32 s1, s30  }
0xba: {  	s0 =	sor.u32 s3, s0;
	s1 =	sshll.u32 s1, $0x11  }
0xbb: {  	s0 =	sor.u32 s1, s0  }
0xbc: {  	s0 =	sadd.s32 $0x8F2B, s0  }
0xbd: {  	[sflag:s0] =	ssyncadd.remote.s32 $0x1  }
0xbe: {  	_ =	sfence.sel $0xFFFF  }
0xbf: {  	[dreg:$0x0] =	wrdreg $0xFFFFFFFF;
	(pc) =	sbr.abs _section_cstart, $3  }
0xc0: {  	[dreg:$0x1] =	wrdreg $0xFFFFFFFF  }
0xc1: {  	_ =	task.clear_ibuf [dreg:s7], $0x2FFFF;
	_ =	strace $0x9FFFFFFF  }
0xc2: {  	(tm) =	ssettm $0x7FFFFFFF  }
0xc3: {  	_ =	shalt  }
tec
execute0_lowered:
.L_overlay_start_1:
0x0: {  	(tag) =	ssettag $0x1  }
0x1: {  	v0 =	vimm.s32 $0xFFFFFFFF;
	v1 =	vimm.f32 $0.0e+00  }
0x2: {  	v2 =	vimm.f32 $1.600000000e+01;
	vm0 =	vcmask $0x300;
	v3 =	vimm.f32 $-1.500000000e+01  }
0x3: {  	vm1 =	vcmask $0x704;
	v2 =	vsel vm0, $0x3F800000, v2;
	v3 =	vsel vm0, $0x0, v3  }
0x4: {  	vm0 =	vcmask $0xB08;
	v2 =	vsel vm1, $0x40000000, v2;
	v3 =	vsel vm1, $0xBF800000, v3  }
0x5: {  	vm1 =	vcmask $0xF0C;
	v2 =	vsel vm0, $0x40400000, v2;
	v3 =	vsel vm0, $0xC0000000, v3  }
0x6: {  	vm0 =	vcmask $0x1310;
	v2 =	vsel vm1, $0x40800000, v2;
	v3 =	vsel vm1, $0xC0400000, v3  }
0x7: {  	vm1 =	vcmask $0x1714;
	v2 =	vsel vm0, $0x40A00000, v2;
	v3 =	vsel vm0, $0xC0800000, v3  }
0x8: {  	s1 =	srdreg.scid;
	s3 =	rddreg [dreg:$0x0];
	vm0 =	vcmask $0x1B18;
	v2 =	vsel vm1, $0x40C00000, v2;
	v3 =	vsel vm1, $0xC0A00000, v3  }
0x9: {  	s0 =	stileid.u32;
	s5 =	rddreg [dreg:$0x1];
	s2 =	simm.s32 $0x0;
	vm1 =	vcmask $0x1F1C;
	v2 =	vsel vm0, $0x40E00000, v2;
	v3 =	vsel vm0, $0xC0C00000, v3  }
0xa: {  	s10 =	simm.s32 $0x1480;
	s4 =	sand.u32 $0x1, s1;
	s30 =	sshll.u32 s0, $0x1;
	vm0 =	vcmask $0x2320;
	v2 =	vsel vm1, $0x41000000, v2;
	v3 =	vsel vm1, $0xC0E00000, v3  }
0xb: {  	s11 =	simm.s32 $0x2900;
	s12 =	simm.s32 $0x3D80;
	s6 =	sor.u32 s4, s30;
	vm1 =	vcmask $0x2724;
	v2 =	vsel vm0, $0x41100000, v2;
	v3 =	vsel vm0, $0xC1000000, v3  }
0xc: {  	s13 =	simm.s32 $0x0;
	s4 =	ssub.s32 $0x2, s4;
	s7 =	smul.u32 $0x28A, s6;
	vm0 =	vcmask $0x2B28;
	v2 =	vsel vm1, $0x41200000, v2;
	v3 =	vsel vm1, $0xC1100000, v3  }
0xd: {  	[smem:$0x7FF] =	sst s2;
	s6 =	smul.u32 $0x1400, s6;
	s31 =	sshrl.u32 s4, $0x1;
	vm1 =	vcmask $0x2F2C;
	v2 =	vsel vm0, $0x41300000, v2;
	v3 =	vsel vm0, $0xC1200000, v3  }
0xe: {  	s1 =	rddreg [dreg:$0x2];
	_ =	strace $0x80000047;
	s9 =	ssub.s32 s4, s31;
	vm0 =	vcmask $0x3330;
	v2 =	vsel vm1, $0x41400000, v2;
	v3 =	vsel vm1, $0xC1300000, v3  }
0xf: {  	s8 =	sadd.s32 s7, s3;
	s6 =	sadd.s32 s6, s3;
	s3 =	sadd.s32 s5, s7;
	vm1 =	vcmask $0x3734;
	v2 =	vsel vm0, $0x41500000, v2;
	v3 =	vsel vm0, $0xC1400000, v3  }
0x10: {  	vm2 =	vcmask $0x3B38;
	s7 =	smax.u32 s9, $0x1;
	s9 =	simm.s32 $0x1;
	s4 =	sadd.s32 $0x1400, s8;
	v2 =	vsel vm1, $0x41600000, v2;
	v3 =	vsel vm1, $0xC1500000, v3  }
0x11: {  	s5 =	sadd.s32 $0x6600, s8;
	s6 =	sadd.s32 $0xB800, s6;
	s8 =	simm.s32 $0x10;
	vm0 =	vcmask $0x3F3C;
	v2 =	vsel vm2, $0x41700000, v2;
	v3 =	vsel vm2, $0xC1600000, v3  }
.LBB2_1:
0x12: {  	[tilespmem:s8], [sflag:$0x1] =	stream.linear.gather [hbm4b:s3+s2], $0x1450, $0x38;
	[tilespmem:$0xDD80] =	vst v63  }
0x13: {  	_ =	swait.ge [sflag:s9], $0x1450  }
0x14: {  	[sflag:s9] =	ssyncset.done $0x0  }
0x15: {  	[sflag:s9] =	ssyncadd.s32 $0xFFFFEBB0  }
0x16: {  	[tilespmem:s10], [sflag:$0x1] =	stream.linear.gather [hbm4b:s4+s2], $0x1450, $0x38;
	[tilespmem:$0xDD80] =	vst v63  }
0x17: {  	_ =	swait.ge [sflag:s9], $0x1450  }
0x18: {  	[sflag:s9] =	ssyncset.done $0x0  }
0x19: {  	[sflag:s9] =	ssyncadd.s32 $0xFFFFEBB0  }
0x1a: {  	[tilespmem:s11], [sflag:$0x1] =	stream.linear.gather [hbm4b:s5+s2], $0x1450, $0x38;
	[tilespmem:$0xDD80] =	vst v63  }
0x1b: {  	_ =	swait.ge [sflag:s9], $0x1450  }
0x1c: {  	[sflag:s9] =	ssyncset.done $0x0  }
0x1d: {  	[sflag:s9] =	ssyncadd.s32 $0xFFFFEBB0  }
0x1e: {  	s14 =	simm.s32 $0x0;
	s15 =	simm.s32 $0x0;
	[tilespmem:$0x1460] =	vst v0  }
.LBB2_2:
0x1f: {  	p0 =	sne.s32 s15, $0x27F0  }
.Ltmp0:
0x20: {  	s16 =	sand.u32 $0x70, s15;
	s17 =	sand.u32 $0xFE00, s14;
	(pc) =	sbr.rel @p0 .LBB2_2-.Ltmp0, $4  }
0x21: {  	s16 =	sor.u32 s16, s17  }
0x22: {  	[tilespmem:s16+$0x3D80] =	vst v1  }
0x23: {  	[tilespmem:s16+$0x3E00] =	vst v1  }
0x24: {  	s14 =	sadd.s32 $0x40, s14;
	s15 =	sadd.s32 $0x10, s15;
	[tilespmem:s16+$0x3E80] =	vst v1  }
0x25: {  	s15 =	simm.s32 $0x1490  }
0x26: {  	v4 =	vld [tilespmem:s15+$0xFFFFFFF0];
	_ =	sdelay $0x2  }
0x27: {  	v8 =	vld [tilespmem:s15+$0x0]  }
0x28: {  	s16 =	simm.s32 $0x2910  }
0x29: {  	s14 =	simm.s32 $0x11;
	v5 =	vld [tilespmem:s16+$0x0];
	(xrf2) =	vadd.scan.msk.f32 $0xffff, v4  }
0x2a: {  	v6 =	vld [tilespmem:s14+$0x10]  }
0x2b: {  	v11 =	vld [tilespmem:s14+$0xF]  }
0x2c: {  	v9 =	vld [tilespmem:s14+$0xFFFFFFFF];
	(xrf2) =	vadd.scan.msk.f32 $0xffff, v8  }
0x2d: {  	v10 =	vld [tilespmem:s14+$0x0];
	_ =	sdelay $0x2  }
0x2e: {  	v7 =	vshll.u32 v11, $0x2;
	v12 =	vand.u32 $0x7F, v11  }
0x2f: {  	v14 =	vshll.u32 v9, $0x2;
	v13 =	vand.u32 $0xFFFFFE00, v7;
	v7 =	vld [tilespmem:s16+$0xFFFFFFF0];
	(xrf2) =	vadd.scan.msk.f32 $0xffff, v5  }
0x30: {  	vm2 =	vne.s32 v11, v6;
	vm1 =	vne.s32 v9, v10;
	v10 =	vand.u32 $0xFFFFFE00, v14;
	v14 =	vld [tilespmem:s14+$0xE]  }
0x31: {  	s17 =	simm.s32 $0x14B0;
	s15 =	simm.s32 $0x0;
	vm2 =	vmor vm2, vm0;
	s16 =	simm.s32 $0x2930;
	v6 =	vor.u32 v12, v13;
	v13 =	vld [tilespmem:s14+$0xFFFFFFFE];
	v12, _, _ =	vpop (xrf2)  }
.LBB2_4:
0x32: {  	v15 =	vld [tilespmem:s16+$0x0];
	s15 =	sadd.s32 $0x2, s15;
	s14 =	sadd.s32 $0x20, s14  }
0x33: {  	v16 =	vld [tilespmem:s14+$0x10];
	p0 =	slt.u32 s15, $0x142  }
0x34: {  	v17 =	vld [tilespmem:s14+$0xF];
	(xrf2) =	vadd.scan.msk.f32 $0xffff, v7;
	v18, _, _ =	vpop (xrf2)  }
0x35: {  	v20 =	vor.u32 $0x80, v6;
	v19 =	vld [tilespmem:s14+$0xFFFFFFFF];
	v21 =	vsub.f32 v8, v18  }
0x36: {  	v22 =	vld [tilespmem:s14+$0x0];
	vm5 =	vne.s32 v11, v14;
	v14 =	vor.u32 $0x100, v6  }
0x37: {  	[tilespmem:v6+s12+$0x0] =	vst.idx.add.f32.msk vm2, v18  }
0x38: {  	vm6 =	vmor vm1, vm0;
	v23 =	vand.u32 $0x7F, v9;
	vm4 =	vne.s32 v9, v13;
	v18 =	vld [tilespmem:s17+$0xFFFFFFF0]  }
0x39: {  	v13 =	vor.u32 v23, v10;
	vm3 =	vne.s32 v17, v16;
	v8 =	vld [tilespmem:s17+$0x0];
	v26 =	vshll.u32 v17, $0x2;
	v9, _, _ =	vpop (xrf2)  }
0x3a: {  	v10 =	vand.u32 $0x7F, v17;
	v24 =	vand.u32 $0xFFFFFE00, v26;
	[tilespmem:v20+s12+$0x0] =	vst.idx.add.f32.msk vm2, v9;
	v16 =	vsub.f32 v5, v9;
	v5 =	vmovc v15  }
0x3b: {  	v23 =	vor.u32 $0x80, v13;
	v11 =	vmovc v17;
	v25 =	vshll.u32 v19, $0x2;
	v15 =	vor.u32 v10, v24;
	[tilespmem:v14+s12+$0x0] =	vst.idx.add.f32.msk vm2, v2  }
0x3c: {  	v17 =	vor.u32 $0x100, v13;
	v9 =	vmovc v19;
	vm1 =	vne.s32 v19, v22;
	v10 =	vand.u32 $0xFFFFFE00, v25;
	[tilespmem:v6+s12+$0x0] =	vst.idx.add.f32.msk vm5, v21  }
0x3d: {  	v6 =	vmov v15;
	(xrf2) =	vadd.scan.msk.f32 $0xffff, v18;
	[tilespmem:v20+s12+$0x0] =	vst.idx.add.f32.msk vm5, v16  }
0x3e: {  	[tilespmem:v13+s12+$0x0] =	vst.idx.add.f32.msk vm6, v12;
	v15, _, _ =	vpop (xrf2)  }
0x3f: {  	v12 =	vsub.f32 v4, v12;
	v4 =	vmov v18;
	v7 =	vsub.f32 v7, v15;
	[tilespmem:v14+s12+$0x0] =	vst.idx.add.f32.msk vm5, v3  }
0x40: {  	(xrf2) =	vadd.scan.msk.f32 $0xffff, v8;
	[tilespmem:v23+s12+$0x0] =	vst.idx.add.f32.msk vm6, v15  }
0x41: {  	[tilespmem:v17+s12+$0x0] =	vst.idx.add.f32.msk vm6, v2  }
0x42: {  	[tilespmem:v13+s12+$0x0] =	vst.idx.add.f32.msk vm4, v12  }
.Ltmp1:
0x43: {  	[tilespmem:v23+s12+$0x0] =	vst.idx.add.f32.msk vm4, v7;
	(pc) =	sbr.rel @p0 .LBB2_4-.Ltmp1, $4  }
0x44: {  	[tilespmem:v17+s12+$0x0] =	vst.idx.add.f32.msk vm4, v3  }
0x45: {  	v7 =	vld [tilespmem:s16+$0xFFFFFFF0];
	(xrf2) =	vadd.scan.msk.f32 $0xffff, v5  }
0x46: {  	v13 =	vld [tilespmem:s14+$0xFFFFFFFE]  }
0x47: {  	s17 =	sadd.s32 $0x20, s17;
	vm2 =	vmor vm3, vm0;
	s16 =	sadd.s32 $0x20, s16;
	v14 =	vld [tilespmem:s14+$0xE];
	v12, _, _ =	vpop (xrf2)  }
0x48: {  	_ = 	snop  }
0x49: {  	vm1 =	vmor vm1, vm0;
	v16 =	vand.u32 $0x7F, v9  }
0x4a: {  	v10 =	vor.u32 v16, v10;
	(xrf2) =	vadd.scan.msk.f32 $0xffff, v7  }
0x4b: {  	v15 =	vor.u32 $0x80, v6  }
0x4c: {  	v53 =	vor.u32 $0x100, v6;
	vm3 =	vne.s32 v11, v14  }
0x4d: {  	v54, _, _ =	vpop (xrf2)  }
0x4e: {  	[tilespmem:v6+s12+$0x0] =	vst.idx.add.f32.msk vm2, v54  }
0x4f: {  	[tilespmem:v10+s12+$0x0] =	vst.idx.add.f32.msk vm1, v12;
	v55, _, _ =	vpop (xrf2)  }
0x50: {  	v56 =	vor.u32 $0x80, v10;
	v8 =	vsub.f32 v8, v54;
	[tilespmem:v15+s12+$0x0] =	vst.idx.add.f32.msk vm2, v55;
	v5 =	vsub.f32 v5, v55  }
0x51: {  	v57 =	vor.u32 $0x100, v10;
	[tilespmem:v53+s12+$0x0] =	vst.idx.add.f32.msk vm2, v2;
	vm2 =	vne.s32 v9, v13  }
0x52: {  	[tilespmem:v6+s12+$0x0] =	vst.idx.add.f32.msk vm3, v8  }
0x53: {  	[tilespmem:v15+s12+$0x0] =	vst.idx.add.f32.msk vm3, v5  }
0x54: {  	v5, _, _ =	vpop (xrf2);
	[tilespmem:v53+s12+$0x0] =	vst.idx.add.f32.msk vm3, v3  }
0x55: {  	v4 =	vsub.f32 v4, v12;
	[tilespmem:v56+s12+$0x0] =	vst.idx.add.f32.msk vm1, v5  }
0x56: {  	v5 =	vsub.f32 v7, v5;
	[tilespmem:v57+s12+$0x0] =	vst.idx.add.f32.msk vm1, v2  }
0x57: {  	[tilespmem:v10+s12+$0x0] =	vst.idx.add.f32.msk vm2, v4  }
0x58: {  	[tilespmem:v56+s12+$0x0] =	vst.idx.add.f32.msk vm2, v5  }
0x59: {  	[tilespmem:v57+s12+$0x0] =	vst.idx.add.f32.msk vm2, v3  }
0x5a: {  	v4 =	vld [tilespmem:$0x28C0]  }
0x5b: {  	v5 =	vld [tilespmem:$0x3D40];
	_ =	sdelay $0x1  }
0x5c: {  	v6 =	vld [tilespmem:$0x1450]  }
0x5d: {  	v58 =	vld [tilespmem:$0x1451]  }
0x5e: {  	(xrf2) =	vadd.scan.msk.f32 $0xffff, v4  }
0x5f: {  	(xrf2) =	vadd.scan.msk.f32 $0xffff, v5;
	_ =	sdelay $0x1  }
0x60: {  	v8 =	vld [tilespmem:$0x144F]  }
0x61: {  	vm1 =	vne.s32 v6, v58;
	v59 =	vshll.u32 v6, $0x2  }
0x62: {  	v60 =	vand.u32 $0x7F, v6;
	vm1 =	vmor vm1, vm0;
	v7 =	vand.u32 $0xFFFFFE00, v59  }
0x63: {  	v7 =	vor.u32 v60, v7  }
0x64: {  	v9 =	vor.u32 $0x80, v7  }
0x65: {  	vm2 =	vne.s32 v6, v8;
	v61 =	vor.u32 $0x100, v7;
	_ =	sdelay $0x1  }
0x66: {  	v62, _, _ =	vpop (xrf2)  }
0x67: {  	v63, _, _ =	vpop (xrf2);
	[tilespmem:v7+s12+$0x0] =	vst.idx.add.f32.msk vm1, v62  }
0x68: {  	v4 =	vsub.f32 v4, v62;
	[tilespmem:v9+s12+$0x0] =	vst.idx.add.f32.msk vm1, v63  }
0x69: {  	v5 =	vsub.f32 v5, v63;
	[tilespmem:v61+s12+$0x0] =	vst.idx.add.f32.msk vm1, v2  }
0x6a: {  	s13 =	sadd.s32 $0x1, s13;
	[tilespmem:v7+s12+$0x0] =	vst.idx.add.f32.msk vm2, v4  }
0x6b: {  	p0 =	sne.s32 s13, s7;
	[tilespmem:v9+s12+$0x0] =	vst.idx.add.f32.msk vm2, v5  }
.Ltmp2:
0x6c: {  	[tilespmem:v61+s12+$0x0] =	vst.idx.add.f32.msk vm2, v3;
	(pc) =	sbr.rel @p0 .LBB2_1-.Ltmp2, $4  }
0x6d: {  	[hbm4b:s6+s2] =	stream.linear.scatter [tilespmem:s12], [sflag:$0x1], $0xA000, $0x38;
	[tilespmem:$0xDD80] =	vst v63  }
0x6e: {  	_ =	swait.ge [sflag:s9], $0xA000  }
0x6f: {  	[sflag:s9] =	ssyncset.done $0x0  }
0x70: {  	[sflag:s9] =	ssyncadd.s32 $0xFFFF6000  }
0x71: {  	_ =	sfence.sel $0x180000  }
0x72: {  	[bflag:$0x0] =	sbarrier.arrive $0xFFFF  }
0x73: {  	p0 =	sne.s32 s0, $0x0;
	_ =	strace $0x90000047  }
0x74: {  	s0 =	sadd.s32 @!p0 $0x100000, s1;
	[bflag:$0x2] =	sbarrier.arrive $0xFFFF  }
0x75: {  	[sflag:s0] =	ssyncadd.tile.s32 @!p0 $0x1;
	_ =	shalt  }
.Lfunc_end2:
_tile_overlayer_lowered:
.L_overlay_start_2:
0x76: {  	(tag) =	ssettag $0x2  }
0x77: {  	s0 =	rddreg [dreg:$0x0];
	s2 =	stileid.u32  }
0x78: {  	s1 =	rddreg [dreg:$0x1];
	p0 =	sne.s32 s2, $0x0  }
0x79: {  	s3 =	rddreg [dreg:$0x2];
	[bflag:$0x3] =	sbarrier.arrive $0xFFFF;
	s2 =	simm.s32 @!p0 $0x1C01  }
0x7a: {  	[timem:s3], [sflag:s2] =	dma.local @!p0 [hbm:s0], s1  }
0x7b: {  	s0 =	simm.s32 @!p0 $0x1  }
0x7c: {  	_ =	swait.ge @!p0 [sflag:s0], s1  }
0x7d: {  	s1 =	ssub.s32 @!p0 $0x0, s1;
	[sflag:s0] =	ssyncset.done @!p0 $0x0  }
0x7e: {  	[sflag:s0] =	ssyncadd.s32 @!p0 s1  }
0x7f: {  	[bflag:$0x3] =	sbarrier.arrive $0xFFFF  }
0x80: {  	_ =	shalt  }

</sc_bundles>
